<compile_context>
chip_gen: v7x
topology: tpu7x:2x2x1
jax: 0.10.2.dev20260603
libtpu: 0.0.44.dev20260713+nightly
codegen_flags: <defaults>
</compile_context>

<pallas_src>
import functools

import jax
import jax.numpy as jnp
from jax import lax
from jax.experimental import pallas as pl
from jax.experimental.pallas import tpu as pltpu
from jax.experimental.pallas import tpu_sc as plsc

N = 10000
D = 128
E = 320000
NC = 2
NS = 16
NW = NC * NS
CH = 128
DCH = 80
EPW = E // NW
NCH_D = EPW // DCH
EPT = E // NS
SEC = 2000
NP = 10240
RPT = NP // NS
NHALF = 5120
NPH = 5248
RPTH = NPH // NS
CCAP = 20480
ZR = 40

f32 = jnp.float32

_mesh = plsc.VectorSubcoreMesh(
    core_axis_name="c", subcore_axis_name="s", num_cores=NC, num_subcores=NS
)


def _fill_1d(ref, n, vec16):
    def body(i, _):
        ref[pl.ds(i * 16, 16)] = vec16
        return 0
    lax.fori_loop(0, n // 16, body, 0)


@functools.partial(
    pl.kernel,
    out_type=jax.ShapeDtypeStruct((NC, NP), f32),
    mesh=_mesh,
    compiler_params=pltpu.CompilerParams(needs_layout_passes=False),
    scratch_types=[
        pltpu.VMEM((NCH_D, DCH), jnp.int32),
        pltpu.VMEM((DCH,), f32),
        pltpu.VMEM((RPT,), f32),
        pltpu.VMEM_SHARED((NP,), f32),
        pltpu.SemaphoreType.DMA,
    ],
)
def _deg_kernel(dst_hbm, deg_hbm, dst_v, ones_v, zrow_v, hist_sh, dsem):
    cid = lax.axis_index("c")
    sid = lax.axis_index("s")
    wid = sid * NC + cid
    _fill_1d(ones_v, DCH, jnp.ones((16,), f32))
    _fill_1d(zrow_v, RPT, jnp.zeros((16,), f32))
    pltpu.sync_copy(dst_hbm.at[wid], dst_v)
    pltpu.sync_copy(zrow_v, hist_sh.at[pl.ds(sid * RPT, RPT)])
    plsc.subcore_barrier()

    def body(j, _):
        pltpu.async_copy(ones_v, hist_sh.at[dst_v.at[j]], add=True, sem=dsem)
        return 0

    lax.fori_loop(0, NCH_D, body, 0)

    def drain(j, _):
        pltpu.make_async_copy(ones_v, hist_sh.at[dst_v.at[j]], dsem).wait()
        return 0

    lax.fori_loop(0, NCH_D, drain, 0)
    plsc.subcore_barrier()
    pltpu.sync_copy(
        hist_sh.at[pl.ds(sid * RPT, RPT)], deg_hbm.at[cid, pl.ds(sid * RPT, RPT)]
    )


@functools.partial(
    pl.kernel,
    out_type=jax.ShapeDtypeStruct((NC, NPH, D), f32),
    mesh=_mesh,
    compiler_params=pltpu.CompilerParams(needs_layout_passes=False),
    scratch_types=[
        pltpu.VMEM((SEC,), jnp.int32),
        pltpu.VMEM((SEC,), jnp.int32),
        pltpu.VMEM((CCAP,), jnp.int32),
        pltpu.VMEM((CCAP // CH, CH), jnp.int32),
        pltpu.VMEM((CH, D), f32),
        pltpu.VMEM((CH, D), f32),
        pltpu.VMEM((ZR, D), f32),
        pltpu.VMEM_SHARED((NPH, D), f32),
        pltpu.SemaphoreType.DMA,
        pltpu.SemaphoreType.DMA,
    ],
)
def _edge_kernel(hs_hbm, src_hbm, dst_hbm, p_hbm, src_s, dst_s, src_c,
                 dst_c, buf0, buf1, zbuf, acc_sh, sem0, sem1):
    cid = lax.axis_index("c")
    sid = lax.axis_index("s")
    base = cid * NHALF
    z16 = jnp.zeros((16,), f32)
    iota16 = lax.iota(jnp.int32, 16)

    def zfill(i, _):
        for k in range(D // 16):
            zbuf[i, pl.ds(k * 16, 16)] = z16
        return 0

    lax.fori_loop(0, ZR, zfill, 0)
    for k in range(NHALF // NS // ZR):
        pltpu.sync_copy(zbuf, acc_sh.at[pl.ds(sid * (NHALF // NS) + k * ZR, ZR)])

    def grp(src_ref, dst_ref, g, cntv):
        s16 = src_ref[pl.ds(g * 16, 16)]
        d16 = dst_ref[pl.ds(g * 16, 16)]
        loc = d16 - base
        m = (loc >= 0) & (loc < NHALF)
        mi = m.astype(jnp.int32)
        pos = cntv + plsc.cumsum(mi) - mi
        plsc.store_scatter(src_c, [pos], s16, mask=m)
        plsc.store_scatter(dst_c, [pos >> 7, pos & (CH - 1)], loc, mask=m)
        return cntv + plsc.all_reduce_population_count(m)

    def sec_body(sec, cntv):
        pltpu.sync_copy(src_hbm.at[sid, sec], src_s)
        pltpu.sync_copy(dst_hbm.at[sid, sec], dst_s)

        def quad(i, cntv):
            g0 = i * 4
            s16 = [src_s[pl.ds((g0 + q) * 16, 16)] for q in range(4)]
            d16 = [dst_s[pl.ds((g0 + q) * 16, 16)] for q in range(4)]
            loc = [d - base for d in d16]
            m = [(l >= 0) & (l < NHALF) for l in loc]
            mi = [mm.astype(jnp.int32) for mm in m]
            cs = [plsc.cumsum(x) for x in mi]
            pc = [plsc.all_reduce_population_count(x) for x in m]
            for q in range(4):
                pos = cntv + cs[q] - mi[q]
                plsc.store_scatter(src_c, [pos], s16[q], mask=m[q])
                plsc.store_scatter(dst_c, [pos >> 7, pos & (CH - 1)], loc[q],
                                   mask=m[q])
                cntv = cntv + pc[q]
            return cntv

        cntv = lax.fori_loop(0, SEC // 64, quad, cntv)
        cntv = grp(src_s, dst_s, SEC // 16 - 1, cntv)
        return cntv

    cntv = lax.fori_loop(0, EPT // SEC, sec_body,
                         jnp.zeros((16,), jnp.int32))
    cnt = cntv[0]

    for k in range(25):
        dpos = cnt + k * 16 + iota16
        plsc.store_scatter(src_c, [dpos], iota16)
        plsc.store_scatter(dst_c, [dpos >> 7, dpos & (CH - 1)], iota16 + NHALF)

    nch = (cnt + (CH - 1)) // CH
    npair = (nch + 1) // 2

    def gather(ch, buf, sem):
        pltpu.async_copy(hs_hbm.at[src_c.at[pl.ds(ch * CH, CH)]], buf, sem)

    def gwait(ch, buf, sem):
        pltpu.make_async_copy(
            hs_hbm.at[src_c.at[pl.ds(ch * CH, CH)]], buf, sem).wait()

    def scat(ch, buf):
        pltpu.sync_copy(buf, acc_sh.at[dst_c.at[ch]], add=True)

    gather(0, buf0, sem0)

    def body(i, _):
        j0 = i * 2
        gather(j0 + 1, buf1, sem1)
        gwait(j0, buf0, sem0)
        scat(j0, buf0)
        gather(j0 + 2, buf0, sem0)
        gwait(j0 + 1, buf1, sem1)
        scat(j0 + 1, buf1)
        return 0

    lax.fori_loop(0, npair, body, 0)
    gwait(npair * 2, buf0, sem0)

    plsc.subcore_barrier()
    pltpu.sync_copy(
        acc_sh.at[pl.ds(sid * RPTH, RPTH)],
        p_hbm.at[cid, pl.ds(sid * RPTH, RPTH)],
    )


def _mm_body(x_ref, w_ref, h_ref):
    h_ref[...] = jnp.dot(x_ref[...], w_ref[...], preferred_element_type=f32)


def _pre_body(h_ref, deg_ref, hs_ref):
    degp = deg_ref[...]
    deg = degp[0, :N] + degp[1, :N] + 1.0
    dis = lax.rsqrt(deg)
    hs_ref[...] = h_ref[...] * dis[:, None]


def _post_body(p_ref, hs_ref, deg_ref, b_ref, o_ref):
    pp = p_ref[...]
    s = jnp.concatenate([pp[0, :NHALF, :], pp[1, : N - NHALF, :]], axis=0)
    degp = deg_ref[...]
    deg = degp[0, :N] + degp[1, :N] + 1.0
    dis = lax.rsqrt(deg)
    o_ref[...] = jnp.maximum(
        (s + hs_ref[...]) * dis[:, None] + b_ref[...][None, :], 0.0)


def kernel(x, edge_index, W, b):
    ei = edge_index.astype(jnp.int32)
    src = ei[0]
    dst = ei[1]
    dst_deg = dst.reshape(NW, NCH_D, DCH)
    src_edge = src.reshape(NS, EPT // SEC, SEC)
    dst_edge = dst.reshape(NS, EPT // SEC, SEC)

    deg_parts = _deg_kernel(dst_deg)
    h = pl.pallas_call(
        _mm_body,
        out_shape=jax.ShapeDtypeStruct((N, D), f32),
    )(x, W)
    hs = pl.pallas_call(
        _pre_body,
        out_shape=jax.ShapeDtypeStruct((N, D), f32),
    )(h, deg_parts)
    p = _edge_kernel(hs, src_edge, dst_edge)
    out = pl.pallas_call(
        _post_body,
        out_shape=jax.ShapeDtypeStruct((N, D), f32),
    )(p, hs, deg_parts, b)
    return out

# --- scband reference (transcript-rebuilt; emitter-appended) ---
"""Pipeline reference for scband-crd-65446711657116 (READ-ONLY COPY).

The authoritative reference and input builder live on the scoring server;
editing this copy changes nothing except your own understanding.
"""

import jax, jax.numpy as jnp
import numpy as np

N_NODES = 10000
D_IN = 128
D_OUT = 128
N_EDGES = 320000


def setup_inputs(seed: int = 0) -> dict:
    key = jax.random.key(seed)
    k1, k2, k3, k4 = jax.random.split(key, 4)
    x = jax.random.normal(k1, (N_NODES, D_IN), dtype=jnp.float32)
    edge_index = jax.random.randint(k2, (2, N_EDGES), 0, N_NODES, dtype=jnp.int64)
    # GCNConv weight (glorot) and bias (zeros), as in torch_geometric
    limit = float(np.sqrt(6.0 / (D_IN + D_OUT)))
    W = jax.random.uniform(k3, (D_IN, D_OUT), dtype=jnp.float32, minval=-limit, maxval=limit)
    b = jnp.zeros((D_OUT,), dtype=jnp.float32)
    return {"x": x, "edge_index": edge_index, "W": W, "b": b}


def reference(x, edge_index, W, b):
    # GCNConv: out = D^{-1/2} (A + I) D^{-1/2} (x W) + b, then relu.
    # Dropout is identity in eval mode (training=False).
    n = x.shape[0]
    h = x @ W
    src = edge_index[0]
    dst = edge_index[1]
    # add self loops
    loop = jnp.arange(n, dtype=edge_index.dtype)
    src = jnp.concatenate([src, loop])
    dst = jnp.concatenate([dst, loop])
    # degree computed on dst (col) as in PyG gcn_norm
    deg = jnp.zeros((n,), dtype=h.dtype).at[dst].add(1.0)
    deg_inv_sqrt = jnp.where(deg > 0, 1.0 / jnp.sqrt(deg), 0.0)
    norm = deg_inv_sqrt[src] * deg_inv_sqrt[dst]
    msg = h[src] * norm[:, None]
    out = jnp.zeros((n, h.shape[1]), dtype=h.dtype).at[dst].add(msg)
    out = out + b
    return jax.nn.relu(out)

if __name__ == "__main__":
    import jax
    _d = setup_inputs()
    print(jax.jit(kernel)(*tuple(_d.values())))

</pallas_src>

<mosaic_0001>
#map = affine_map<(d0, d1) -> (0, 0, 0)>
#map1 = affine_map<(d0, d1) -> (0, 0)>
module attributes {stable_mosaic.version = 14 : i64} {
  func.func @_deg_kernel(%arg0: i32, %arg1: i32, %arg2: memref<32x125x80xi32, #tpu.memory_space<hbm>>, %arg3: memref<2x10240xf32, #tpu.memory_space<hbm>>, %arg4: memref<125x80xi32, #tpu.memory_space<vmem>>, %arg5: memref<80xf32, #tpu.memory_space<vmem>>, %arg6: memref<640xf32, #tpu.memory_space<vmem>>, %arg7: memref<10240xf32, #tpu.memory_space<vmem_shared>>, %arg8: memref<!tpu.dma_semaphore, #tpu.memory_space<semaphore_mem>>) attributes {dimension_semantics = [#tpu.dimension_semantics<core_parallel>, #tpu.dimension_semantics<subcore_parallel>], iteration_bounds = array<i64: 2, 16>, scalar_prefetch = 0 : i64, scratch_operands = 5 : i64, tpu.core_type = #tpu.core_type<sc_vector_subcore>, window_params = [{transform_indices = #map}, {transform_indices = #map1}]} {
    %mul3A = arith.constant 2 : i32
    %mul3A_0 = arith.muli %arg1, %mul3A : i32
    %add3A = arith.addi %mul3A_0, %arg0 : i32
    %broadcast_in_dim3A = arith.constant 1.000000e+00 : f32
    %broadcast_in_dim3A_1 = vector.broadcast %broadcast_in_dim3A : f32 to vector<16xf32>
    %scan3A = arith.constant 0 : i32
    %scan3A_2 = arith.constant 0 : i32
    %scan3A_3 = arith.constant 5 : i32
    %scan3A_4 = arith.addi %scan3A_2, %scan3A_3 : i32
    %scan3A_5 = arith.constant 1 : i32
    %scan3A_6 = scf.for %scan3A_38 = %scan3A_2 to %scan3A_4 step %scan3A_5 iter_args(%scan3A_39 = %scan3A) -> (i32)  : i32 {
      %mul3A_40 = arith.constant 16 : i32
      %mul3A_41 = arith.muli %scan3A_38, %mul3A_40 : i32
      %swap3A = arith.index_cast %mul3A_41 : i32 to index
      %swap3A_42 = tpu.vector_load %arg5[%swap3A] {strides = array<i32>} : memref<80xf32, #tpu.memory_space<vmem>>, vector<16xf32>,
      tpu.vector_store %arg5[%swap3A], %broadcast_in_dim3A_1 {strides = array<i32>} : memref<80xf32, #tpu.memory_space<vmem>>, vector<16xf32>,
      %scan3A_43 = arith.constant 0 : i32
      scf.yield %scan3A_43 : i32
    }
    %scan3A_7 = arith.constant 5 : i32
    %broadcast_in_dim3A_8 = arith.constant 0.000000e+00 : f32
    %broadcast_in_dim3A_9 = vector.broadcast %broadcast_in_dim3A_8 : f32 to vector<16xf32>
    %scan3A_10 = arith.constant 0 : i32
    %scan3A_11 = arith.constant 0 : i32
    %scan3A_12 = arith.constant 40 : i32
    %scan3A_13 = arith.addi %scan3A_11, %scan3A_12 : i32
    %scan3A_14 = arith.constant 1 : i32
    %scan3A_15 = scf.for %scan3A_38 = %scan3A_11 to %scan3A_13 step %scan3A_14 iter_args(%scan3A_39 = %scan3A_10) -> (i32)  : i32 {
      %mul3A_40 = arith.constant 16 : i32
      %mul3A_41 = arith.muli %scan3A_38, %mul3A_40 : i32
      %swap3A = arith.index_cast %mul3A_41 : i32 to index
      %swap3A_42 = tpu.vector_load %arg6[%swap3A] {strides = array<i32>} : memref<640xf32, #tpu.memory_space<vmem>>, vector<16xf32>,
      tpu.vector_store %arg6[%swap3A], %broadcast_in_dim3A_9 {strides = array<i32>} : memref<640xf32, #tpu.memory_space<vmem>>, vector<16xf32>,
      %scan3A_43 = arith.constant 0 : i32
      scf.yield %scan3A_43 : i32
    }
    %scan3A_16 = arith.constant 40 : i32
    "tpu.region"() ({
      %run_scoped3A = tpu.sem_alloc : memref<!tpu.dma_semaphore, #tpu.memory_space<semaphore_mem>>
      %dma_start3A = arith.constant 0 : i32
      %dma_start3A_38 = arith.constant 0 : i32
      %dma_start3A_39 = tpu.memref_slice %arg2[%add3A, %dma_start3A, %dma_start3A_38] : memref<32x125x80xi32, #tpu.memory_space<hbm>> -> memref<1x125x80xi32, #tpu.memory_space<hbm>>
      %dma_start3A_40 = tpu.memref_squeeze %dma_start3A_39 : memref<1x125x80xi32, #tpu.memory_space<hbm>> -> memref<125x80xi32, #tpu.memory_space<hbm>>
      %dma_start3A_41 = arith.constant 0 : i32
      %dma_start3A_42 = arith.constant 0 : i32
      %dma_start3A_43 = tpu.memref_slice %arg2[%add3A, %dma_start3A_41, %dma_start3A_42] : memref<32x125x80xi32, #tpu.memory_space<hbm>> -> memref<1x125x80xi32, #tpu.memory_space<hbm>>
      %dma_start3A_44 = tpu.memref_squeeze %dma_start3A_43 : memref<1x125x80xi32, #tpu.memory_space<hbm>> -> memref<125x80xi32, #tpu.memory_space<hbm>>
      tpu.enqueue_dma source(%dma_start3A_44 : memref<125x80xi32, #tpu.memory_space<hbm>>) target(%arg4 : memref<125x80xi32, #tpu.memory_space<vmem>>) target_semaphore(%run_scoped3A : memref<!tpu.dma_semaphore, #tpu.memory_space<semaphore_mem>>)
      %dma_wait3A = arith.constant 0 : i32
      %dma_wait3A_45 = arith.constant 0 : i32
      %dma_wait3A_46 = tpu.memref_slice %arg2[%add3A, %dma_wait3A, %dma_wait3A_45] : memref<32x125x80xi32, #tpu.memory_space<hbm>> -> memref<1x125x80xi32, #tpu.memory_space<hbm>>
      %dma_wait3A_47 = tpu.memref_squeeze %dma_wait3A_46 : memref<1x125x80xi32, #tpu.memory_space<hbm>> -> memref<125x80xi32, #tpu.memory_space<hbm>>
      %dma_wait3A_48 = arith.constant 0 : i32
      %dma_wait3A_49 = arith.constant 0 : i32
      %dma_wait3A_50 = tpu.memref_slice %arg2[%add3A, %dma_wait3A_48, %dma_wait3A_49] : memref<32x125x80xi32, #tpu.memory_space<hbm>> -> memref<1x125x80xi32, #tpu.memory_space<hbm>>
      %dma_wait3A_51 = tpu.memref_squeeze %dma_wait3A_50 : memref<1x125x80xi32, #tpu.memory_space<hbm>> -> memref<125x80xi32, #tpu.memory_space<hbm>>
      tpu.wait_dma2 semaphore(%run_scoped3A : memref<!tpu.dma_semaphore, #tpu.memory_space<semaphore_mem>>) src(%dma_wait3A_51 : memref<125x80xi32, #tpu.memory_space<hbm>>) dst(%arg4 : memref<125x80xi32, #tpu.memory_space<vmem>>)
      tpu.yield
    }) : () -> ()
    %mul3A_17 = arith.constant 640 : i32
    %mul3A_18 = arith.muli %arg1, %mul3A_17 : i32
    "tpu.region"() ({
      %run_scoped3A = tpu.sem_alloc : memref<!tpu.dma_semaphore, #tpu.memory_space<semaphore_mem>>
      %dma_start3A = tpu.memref_slice %arg7[%mul3A_18] : memref<10240xf32, #tpu.memory_space<vmem_shared>> -> memref<640xf32, #tpu.memory_space<vmem_shared>>
      %dma_start3A_38 = tpu.memref_slice %arg7[%mul3A_18] : memref<10240xf32, #tpu.memory_space<vmem_shared>> -> memref<640xf32, #tpu.memory_space<vmem_shared>>
      tpu.enqueue_dma source(%arg6 : memref<640xf32, #tpu.memory_space<vmem>>) target(%dma_start3A_38 : memref<640xf32, #tpu.memory_space<vmem_shared>>) target_semaphore(%run_scoped3A : memref<!tpu.dma_semaphore, #tpu.memory_space<semaphore_mem>>)
      %dma_wait3A = tpu.memref_slice %arg7[%mul3A_18] : memref<10240xf32, #tpu.memory_space<vmem_shared>> -> memref<640xf32, #tpu.memory_space<vmem_shared>>
      %dma_wait3A_39 = tpu.memref_slice %arg7[%mul3A_18] : memref<10240xf32, #tpu.memory_space<vmem_shared>> -> memref<640xf32, #tpu.memory_space<vmem_shared>>
      tpu.wait_dma2 semaphore(%run_scoped3A : memref<!tpu.dma_semaphore, #tpu.memory_space<semaphore_mem>>) src(%arg6 : memref<640xf32, #tpu.memory_space<vmem>>) dst(%dma_wait3A_39 : memref<640xf32, #tpu.memory_space<vmem_shared>>)
      tpu.yield
    }) : () -> ()
    %barrier3A = arith.constant 0 : index
    tpu.barrier barrier_id(%barrier3A)
    %scan3A_19 = arith.constant 0 : i32
    %scan3A_20 = arith.constant 0 : i32
    %scan3A_21 = arith.constant 125 : i32
    %scan3A_22 = arith.addi %scan3A_20, %scan3A_21 : i32
    %scan3A_23 = arith.constant 1 : i32
    %scan3A_24 = scf.for %scan3A_38 = %scan3A_20 to %scan3A_22 step %scan3A_23 iter_args(%scan3A_39 = %scan3A_19) -> (i32)  : i32 {
      %dma_start3A = arith.constant 0 : i32
      %dma_start3A_40 = tpu.memref_slice %arg4[%scan3A_38, %dma_start3A] : memref<125x80xi32, #tpu.memory_space<vmem>> -> memref<1x80xi32, #tpu.memory_space<vmem>>
      %dma_start3A_41 = tpu.memref_squeeze %dma_start3A_40 : memref<1x80xi32, #tpu.memory_space<vmem>> -> memref<80xi32, #tpu.memory_space<vmem>>
      %dma_start3A_42 = arith.constant 0 : i32
      %dma_start3A_43 = tpu.memref_slice %arg7[%dma_start3A_42] : memref<10240xf32, #tpu.memory_space<vmem_shared>> -> memref<10240xf32, #tpu.memory_space<vmem_shared>>
      tpu.enqueue_indirect_dma source(%arg5 : memref<80xf32, #tpu.memory_space<vmem>>) target(%dma_start3A_43 : memref<10240xf32, #tpu.memory_space<vmem_shared>>) offsets(%dma_start3A_41 : memref<80xi32, #tpu.memory_space<vmem>>) semaphore(%arg8 : memref<!tpu.dma_semaphore, #tpu.memory_space<semaphore_mem>>) {add = true}
      %scan3A_44 = arith.constant 0 : i32
      scf.yield %scan3A_44 : i32
    }
    %scan3A_25 = arith.constant 125 : i32
    %scan3A_26 = arith.constant 0 : i32
    %scan3A_27 = arith.constant 0 : i32
    %scan3A_28 = arith.constant 125 : i32
    %scan3A_29 = arith.addi %scan3A_27, %scan3A_28 : i32
    %scan3A_30 = arith.constant 1 : i32
    %scan3A_31 = scf.for %scan3A_38 = %scan3A_27 to %scan3A_29 step %scan3A_30 iter_args(%scan3A_39 = %scan3A_26) -> (i32)  : i32 {
      %dma_wait3A = arith.constant 0 : i32
      %dma_wait3A_40 = tpu.memref_slice %arg4[%scan3A_38, %dma_wait3A] : memref<125x80xi32, #tpu.memory_space<vmem>> -> memref<1x80xi32, #tpu.memory_space<vmem>>
      %dma_wait3A_41 = tpu.memref_squeeze %dma_wait3A_40 : memref<1x80xi32, #tpu.memory_space<vmem>> -> memref<80xi32, #tpu.memory_space<vmem>>
      %dma_wait3A_42 = arith.constant 0 : i32
      %dma_wait3A_43 = tpu.memref_slice %arg7[%dma_wait3A_42] : memref<10240xf32, #tpu.memory_space<vmem_shared>> -> memref<10240xf32, #tpu.memory_space<vmem_shared>>
      tpu.wait_indirect_dma semaphore(%arg8 : memref<!tpu.dma_semaphore, #tpu.memory_space<semaphore_mem>>) src(%arg5 : memref<80xf32, #tpu.memory_space<vmem>>) dst(%dma_wait3A_43 : memref<10240xf32, #tpu.memory_space<vmem_shared>>)
      %scan3A_44 = arith.constant 0 : i32
      scf.yield %scan3A_44 : i32
    }
    %scan3A_32 = arith.constant 125 : i32
    %barrier3A_33 = arith.constant 0 : index
    tpu.barrier barrier_id(%barrier3A_33)
    %mul3A_34 = arith.constant 640 : i32
    %mul3A_35 = arith.muli %arg1, %mul3A_34 : i32
    %mul3A_36 = arith.constant 640 : i32
    %mul3A_37 = arith.muli %arg1, %mul3A_36 : i32
    "tpu.region"() ({
      %run_scoped3A = tpu.sem_alloc : memref<!tpu.dma_semaphore, #tpu.memory_space<semaphore_mem>>
      %dma_start3A = tpu.memref_slice %arg3[%arg0, %mul3A_37] : memref<2x10240xf32, #tpu.memory_space<hbm>> -> memref<1x640xf32, #tpu.memory_space<hbm>>
      %dma_start3A_38 = tpu.memref_squeeze %dma_start3A : memref<1x640xf32, #tpu.memory_space<hbm>> -> memref<640xf32, #tpu.memory_space<hbm>>
      %dma_start3A_39 = tpu.memref_slice %arg7[%mul3A_35] : memref<10240xf32, #tpu.memory_space<vmem_shared>> -> memref<640xf32, #tpu.memory_space<vmem_shared>>
      tpu.enqueue_dma source(%dma_start3A_39 : memref<640xf32, #tpu.memory_space<vmem_shared>>) target(%dma_start3A_38 : memref<640xf32, #tpu.memory_space<hbm>>) target_semaphore(%run_scoped3A : memref<!tpu.dma_semaphore, #tpu.memory_space<semaphore_mem>>)
      %dma_wait3A = tpu.memref_slice %arg3[%arg0, %mul3A_37] : memref<2x10240xf32, #tpu.memory_space<hbm>> -> memref<1x640xf32, #tpu.memory_space<hbm>>
      %dma_wait3A_40 = tpu.memref_squeeze %dma_wait3A : memref<1x640xf32, #tpu.memory_space<hbm>> -> memref<640xf32, #tpu.memory_space<hbm>>
      %dma_wait3A_41 = tpu.memref_slice %arg7[%mul3A_35] : memref<10240xf32, #tpu.memory_space<vmem_shared>> -> memref<640xf32, #tpu.memory_space<vmem_shared>>
      tpu.wait_dma2 semaphore(%run_scoped3A : memref<!tpu.dma_semaphore, #tpu.memory_space<semaphore_mem>>) src(%dma_wait3A_41 : memref<640xf32, #tpu.memory_space<vmem_shared>>) dst(%dma_wait3A_40 : memref<640xf32, #tpu.memory_space<hbm>>)
      tpu.yield
    }) : () -> ()
    return
  }
}

#map = affine_map<(d0, d1) -> (0, 0)>
#map1 = affine_map<(d0, d1) -> (0, 0, 0)>
module attributes {stable_mosaic.version = 14 : i64} {
  func.func @_edge_kernel(%arg0: i32, %arg1: i32, %arg2: memref<10000x128xf32, #tpu.memory_space<hbm>>, %arg3: memref<16x10x2000xi32, #tpu.memory_space<hbm>>, %arg4: memref<16x10x2000xi32, #tpu.memory_space<hbm>>, %arg5: memref<2x5248x128xf32, #tpu.memory_space<hbm>>, %arg6: memref<2000xi32, #tpu.memory_space<vmem>>, %arg7: memref<2000xi32, #tpu.memory_space<vmem>>, %arg8: memref<20480xi32, #tpu.memory_space<vmem>>, %arg9: memref<160x128xi32, #tpu.memory_space<vmem>>, %arg10: memref<128x128xf32, #tpu.memory_space<vmem>>, %arg11: memref<128x128xf32, #tpu.memory_space<vmem>>, %arg12: memref<40x128xf32, #tpu.memory_space<vmem>>, %arg13: memref<5248x128xf32, #tpu.memory_space<vmem_shared>>, %arg14: memref<!tpu.dma_semaphore, #tpu.memory_space<semaphore_mem>>, %arg15: memref<!tpu.dma_semaphore, #tpu.memory_space<semaphore_mem>>) attributes {dimension_semantics = [#tpu.dimension_semantics<core_parallel>, #tpu.dimension_semantics<subcore_parallel>], iteration_bounds = array<i64: 2, 16>, scalar_prefetch = 0 : i64, scratch_operands = 10 : i64, tpu.core_type = #tpu.core_type<sc_vector_subcore>, window_params = [{transform_indices = #map}, {transform_indices = #map1}, {transform_indices = #map1}, {transform_indices = #map1}]} {
    %mul3A = arith.constant 5120 : i32
    %mul3A_0 = arith.muli %arg0, %mul3A : i32
    %broadcast_in_dim3A = arith.constant 0.000000e+00 : f32
    %broadcast_in_dim3A_1 = vector.broadcast %broadcast_in_dim3A : f32 to vector<16xf32>
    %iota3A = tpu.iota {dimensions = array<i32: 0>} : vector<16xi32>
    %scan3A = arith.constant 0 : i32
    %scan3A_2 = arith.constant 0 : i32
    %scan3A_3 = arith.constant 40 : i32
    %scan3A_4 = arith.addi %scan3A_2, %scan3A_3 : i32
    %scan3A_5 = arith.constant 1 : i32
    %scan3A_6 = scf.for %scan3A_441 = %scan3A_2 to %scan3A_4 step %scan3A_5 iter_args(%scan3A_442 = %scan3A) -> (i32)  : i32 {
      %swap3A = arith.index_cast %scan3A_441 : i32 to index
      %swap3A_443 = arith.constant 0 : index
      %swap3A_444 = tpu.vector_load %arg12[%swap3A, %swap3A_443] {strides = array<i32>} : memref<40x128xf32, #tpu.memory_space<vmem>>, vector<16xf32>,
      tpu.vector_store %arg12[%swap3A, %swap3A_443], %broadcast_in_dim3A_1 {strides = array<i32>} : memref<40x128xf32, #tpu.memory_space<vmem>>, vector<16xf32>,
      %swap3A_445 = arith.index_cast %scan3A_441 : i32 to index
      %swap3A_446 = arith.constant 16 : index
      %swap3A_447 = tpu.vector_load %arg12[%swap3A_445, %swap3A_446] {strides = array<i32>} : memref<40x128xf32, #tpu.memory_space<vmem>>, vector<16xf32>,
      tpu.vector_store %arg12[%swap3A_445, %swap3A_446], %broadcast_in_dim3A_1 {strides = array<i32>} : memref<40x128xf32, #tpu.memory_space<vmem>>, vector<16xf32>,
      %swap3A_448 = arith.index_cast %scan3A_441 : i32 to index
      %swap3A_449 = arith.constant 32 : index
      %swap3A_450 = tpu.vector_load %arg12[%swap3A_448, %swap3A_449] {strides = array<i32>} : memref<40x128xf32, #tpu.memory_space<vmem>>, vector<16xf32>,
      tpu.vector_store %arg12[%swap3A_448, %swap3A_449], %broadcast_in_dim3A_1 {strides = array<i32>} : memref<40x128xf32, #tpu.memory_space<vmem>>, vector<16xf32>,
      %swap3A_451 = arith.index_cast %scan3A_441 : i32 to index
      %swap3A_452 = arith.constant 48 : index
      %swap3A_453 = tpu.vector_load %arg12[%swap3A_451, %swap3A_452] {strides = array<i32>} : memref<40x128xf32, #tpu.memory_space<vmem>>, vector<16xf32>,
      tpu.vector_store %arg12[%swap3A_451, %swap3A_452], %broadcast_in_dim3A_1 {strides = array<i32>} : memref<40x128xf32, #tpu.memory_space<vmem>>, vector<16xf32>,
      %swap3A_454 = arith.index_cast %scan3A_441 : i32 to index
      %swap3A_455 = arith.constant 64 : index
      %swap3A_456 = tpu.vector_load %arg12[%swap3A_454, %swap3A_455] {strides = array<i32>} : memref<40x128xf32, #tpu.memory_space<vmem>>, vector<16xf32>,
      tpu.vector_store %arg12[%swap3A_454, %swap3A_455], %broadcast_in_dim3A_1 {strides = array<i32>} : memref<40x128xf32, #tpu.memory_space<vmem>>, vector<16xf32>,
      %swap3A_457 = arith.index_cast %scan3A_441 : i32 to index
      %swap3A_458 = arith.constant 80 : index
      %swap3A_459 = tpu.vector_load %arg12[%swap3A_457, %swap3A_458] {strides = array<i32>} : memref<40x128xf32, #tpu.memory_space<vmem>>, vector<16xf32>,
      tpu.vector_store %arg12[%swap3A_457, %swap3A_458], %broadcast_in_dim3A_1 {strides = array<i32>} : memref<40x128xf32, #tpu.memory_space<vmem>>, vector<16xf32>,
      %swap3A_460 = arith.index_cast %scan3A_441 : i32 to index
      %swap3A_461 = arith.constant 96 : index
      %swap3A_462 = tpu.vector_load %arg12[%swap3A_460, %swap3A_461] {strides = array<i32>} : memref<40x128xf32, #tpu.memory_space<vmem>>, vector<16xf32>,
      tpu.vector_store %arg12[%swap3A_460, %swap3A_461], %broadcast_in_dim3A_1 {strides = array<i32>} : memref<40x128xf32, #tpu.memory_space<vmem>>, vector<16xf32>,
      %swap3A_463 = arith.index_cast %scan3A_441 : i32 to index
      %swap3A_464 = arith.constant 112 : index
      %swap3A_465 = tpu.vector_load %arg12[%swap3A_463, %swap3A_464] {strides = array<i32>} : memref<40x128xf32, #tpu.memory_space<vmem>>, vector<16xf32>,
      tpu.vector_store %arg12[%swap3A_463, %swap3A_464], %broadcast_in_dim3A_1 {strides = array<i32>} : memref<40x128xf32, #tpu.memory_space<vmem>>, vector<16xf32>,
      %scan3A_466 = arith.constant 0 : i32
      scf.yield %scan3A_466 : i32
    }
    %scan3A_7 = arith.constant 40 : i32
    %mul3A_8 = arith.constant 320 : i32
    %mul3A_9 = arith.muli %arg1, %mul3A_8 : i32
    %add3A = arith.constant 0 : i32
    %add3A_10 = arith.addi %mul3A_9, %add3A : i32
    "tpu.region"() ({
      %run_scoped3A = tpu.sem_alloc : memref<!tpu.dma_semaphore, #tpu.memory_space<semaphore_mem>>
      %dma_start3A_441 = arith.constant 0 : i32
      %dma_start3A_442 = tpu.memref_slice %arg13[%add3A_10, %dma_start3A_441] : memref<5248x128xf32, #tpu.memory_space<vmem_shared>> -> memref<40x128xf32, #tpu.memory_space<vmem_shared>>
      %dma_start3A_443 = arith.constant 0 : i32
      %dma_start3A_444 = tpu.memref_slice %arg13[%add3A_10, %dma_start3A_443] : memref<5248x128xf32, #tpu.memory_space<vmem_shared>> -> memref<40x128xf32, #tpu.memory_space<vmem_shared>>
      tpu.enqueue_dma source(%arg12 : memref<40x128xf32, #tpu.memory_space<vmem>>) target(%dma_start3A_444 : memref<40x128xf32, #tpu.memory_space<vmem_shared>>) target_semaphore(%run_scoped3A : memref<!tpu.dma_semaphore, #tpu.memory_space<semaphore_mem>>)
      %dma_wait3A_445 = arith.constant 0 : i32
      %dma_wait3A_446 = tpu.memref_slice %arg13[%add3A_10, %dma_wait3A_445] : memref<5248x128xf32, #tpu.memory_space<vmem_shared>> -> memref<40x128xf32, #tpu.memory_space<vmem_shared>>
      %dma_wait3A_447 = arith.constant 0 : i32
      %dma_wait3A_448 = tpu.memref_slice %arg13[%add3A_10, %dma_wait3A_447] : memref<5248x128xf32, #tpu.memory_space<vmem_shared>> -> memref<40x128xf32, #tpu.memory_space<vmem_shared>>
      tpu.wait_dma2 semaphore(%run_scoped3A : memref<!tpu.dma_semaphore, #tpu.memory_space<semaphore_mem>>) src(%arg12 : memref<40x128xf32, #tpu.memory_space<vmem>>) dst(%dma_wait3A_448 : memref<40x128xf32, #tpu.memory_space<vmem_shared>>)
      tpu.yield
    }) : () -> ()
    %mul3A_11 = arith.constant 320 : i32
    %mul3A_12 = arith.muli %arg1, %mul3A_11 : i32
    %add3A_13 = arith.constant 40 : i32
    %add3A_14 = arith.addi %mul3A_12, %add3A_13 : i32
    "tpu.region"() ({
      %run_scoped3A = tpu.sem_alloc : memref<!tpu.dma_semaphore, #tpu.memory_space<semaphore_mem>>
      %dma_start3A_441 = arith.constant 0 : i32
      %dma_start3A_442 = tpu.memref_slice %arg13[%add3A_14, %dma_start3A_441] : memref<5248x128xf32, #tpu.memory_space<vmem_shared>> -> memref<40x128xf32, #tpu.memory_space<vmem_shared>>
      %dma_start3A_443 = arith.constant 0 : i32
      %dma_start3A_444 = tpu.memref_slice %arg13[%add3A_14, %dma_start3A_443] : memref<5248x128xf32, #tpu.memory_space<vmem_shared>> -> memref<40x128xf32, #tpu.memory_space<vmem_shared>>
      tpu.enqueue_dma source(%arg12 : memref<40x128xf32, #tpu.memory_space<vmem>>) target(%dma_start3A_444 : memref<40x128xf32, #tpu.memory_space<vmem_shared>>) target_semaphore(%run_scoped3A : memref<!tpu.dma_semaphore, #tpu.memory_space<semaphore_mem>>)
      %dma_wait3A_445 = arith.constant 0 : i32
      %dma_wait3A_446 = tpu.memref_slice %arg13[%add3A_14, %dma_wait3A_445] : memref<5248x128xf32, #tpu.memory_space<vmem_shared>> -> memref<40x128xf32, #tpu.memory_space<vmem_shared>>
      %dma_wait3A_447 = arith.constant 0 : i32
      %dma_wait3A_448 = tpu.memref_slice %arg13[%add3A_14, %dma_wait3A_447] : memref<5248x128xf32, #tpu.memory_space<vmem_shared>> -> memref<40x128xf32, #tpu.memory_space<vmem_shared>>
      tpu.wait_dma2 semaphore(%run_scoped3A : memref<!tpu.dma_semaphore, #tpu.memory_space<semaphore_mem>>) src(%arg12 : memref<40x128xf32, #tpu.memory_space<vmem>>) dst(%dma_wait3A_448 : memref<40x128xf32, #tpu.memory_space<vmem_shared>>)
      tpu.yield
    }) : () -> ()
    %mul3A_15 = arith.constant 320 : i32
    %mul3A_16 = arith.muli %arg1, %mul3A_15 : i32
    %add3A_17 = arith.constant 80 : i32
    %add3A_18 = arith.addi %mul3A_16, %add3A_17 : i32
    "tpu.region"() ({
      %run_scoped3A = tpu.sem_alloc : memref<!tpu.dma_semaphore, #tpu.memory_space<semaphore_mem>>
      %dma_start3A_441 = arith.constant 0 : i32
      %dma_start3A_442 = tpu.memref_slice %arg13[%add3A_18, %dma_start3A_441] : memref<5248x128xf32, #tpu.memory_space<vmem_shared>> -> memref<40x128xf32, #tpu.memory_space<vmem_shared>>
      %dma_start3A_443 = arith.constant 0 : i32
      %dma_start3A_444 = tpu.memref_slice %arg13[%add3A_18, %dma_start3A_443] : memref<5248x128xf32, #tpu.memory_space<vmem_shared>> -> memref<40x128xf32, #tpu.memory_space<vmem_shared>>
      tpu.enqueue_dma source(%arg12 : memref<40x128xf32, #tpu.memory_space<vmem>>) target(%dma_start3A_444 : memref<40x128xf32, #tpu.memory_space<vmem_shared>>) target_semaphore(%run_scoped3A : memref<!tpu.dma_semaphore, #tpu.memory_space<semaphore_mem>>)
      %dma_wait3A_445 = arith.constant 0 : i32
      %dma_wait3A_446 = tpu.memref_slice %arg13[%add3A_18, %dma_wait3A_445] : memref<5248x128xf32, #tpu.memory_space<vmem_shared>> -> memref<40x128xf32, #tpu.memory_space<vmem_shared>>
      %dma_wait3A_447 = arith.constant 0 : i32
      %dma_wait3A_448 = tpu.memref_slice %arg13[%add3A_18, %dma_wait3A_447] : memref<5248x128xf32, #tpu.memory_space<vmem_shared>> -> memref<40x128xf32, #tpu.memory_space<vmem_shared>>
      tpu.wait_dma2 semaphore(%run_scoped3A : memref<!tpu.dma_semaphore, #tpu.memory_space<semaphore_mem>>) src(%arg12 : memref<40x128xf32, #tpu.memory_space<vmem>>) dst(%dma_wait3A_448 : memref<40x128xf32, #tpu.memory_space<vmem_shared>>)
      tpu.yield
    }) : () -> ()
    %mul3A_19 = arith.constant 320 : i32
    %mul3A_20 = arith.muli %arg1, %mul3A_19 : i32
    %add3A_21 = arith.constant 120 : i32
    %add3A_22 = arith.addi %mul3A_20, %add3A_21 : i32
    "tpu.region"() ({
      %run_scoped3A = tpu.sem_alloc : memref<!tpu.dma_semaphore, #tpu.memory_space<semaphore_mem>>
      %dma_start3A_441 = arith.constant 0 : i32
      %dma_start3A_442 = tpu.memref_slice %arg13[%add3A_22, %dma_start3A_441] : memref<5248x128xf32, #tpu.memory_space<vmem_shared>> -> memref<40x128xf32, #tpu.memory_space<vmem_shared>>
      %dma_start3A_443 = arith.constant 0 : i32
      %dma_start3A_444 = tpu.memref_slice %arg13[%add3A_22, %dma_start3A_443] : memref<5248x128xf32, #tpu.memory_space<vmem_shared>> -> memref<40x128xf32, #tpu.memory_space<vmem_shared>>
      tpu.enqueue_dma source(%arg12 : memref<40x128xf32, #tpu.memory_space<vmem>>) target(%dma_start3A_444 : memref<40x128xf32, #tpu.memory_space<vmem_shared>>) target_semaphore(%run_scoped3A : memref<!tpu.dma_semaphore, #tpu.memory_space<semaphore_mem>>)
      %dma_wait3A_445 = arith.constant 0 : i32
      %dma_wait3A_446 = tpu.memref_slice %arg13[%add3A_22, %dma_wait3A_445] : memref<5248x128xf32, #tpu.memory_space<vmem_shared>> -> memref<40x128xf32, #tpu.memory_space<vmem_shared>>
      %dma_wait3A_447 = arith.constant 0 : i32
      %dma_wait3A_448 = tpu.memref_slice %arg13[%add3A_22, %dma_wait3A_447] : memref<5248x128xf32, #tpu.memory_space<vmem_shared>> -> memref<40x128xf32, #tpu.memory_space<vmem_shared>>
      tpu.wait_dma2 semaphore(%run_scoped3A : memref<!tpu.dma_semaphore, #tpu.memory_space<semaphore_mem>>) src(%arg12 : memref<40x128xf32, #tpu.memory_space<vmem>>) dst(%dma_wait3A_448 : memref<40x128xf32, #tpu.memory_space<vmem_shared>>)
      tpu.yield
    }) : () -> ()
    %mul3A_23 = arith.constant 320 : i32
    %mul3A_24 = arith.muli %arg1, %mul3A_23 : i32
    %add3A_25 = arith.constant 160 : i32
    %add3A_26 = arith.addi %mul3A_24, %add3A_25 : i32
    "tpu.region"() ({
      %run_scoped3A = tpu.sem_alloc : memref<!tpu.dma_semaphore, #tpu.memory_space<semaphore_mem>>
      %dma_start3A_441 = arith.constant 0 : i32
      %dma_start3A_442 = tpu.memref_slice %arg13[%add3A_26, %dma_start3A_441] : memref<5248x128xf32, #tpu.memory_space<vmem_shared>> -> memref<40x128xf32, #tpu.memory_space<vmem_shared>>
      %dma_start3A_443 = arith.constant 0 : i32
      %dma_start3A_444 = tpu.memref_slice %arg13[%add3A_26, %dma_start3A_443] : memref<5248x128xf32, #tpu.memory_space<vmem_shared>> -> memref<40x128xf32, #tpu.memory_space<vmem_shared>>
      tpu.enqueue_dma source(%arg12 : memref<40x128xf32, #tpu.memory_space<vmem>>) target(%dma_start3A_444 : memref<40x128xf32, #tpu.memory_space<vmem_shared>>) target_semaphore(%run_scoped3A : memref<!tpu.dma_semaphore, #tpu.memory_space<semaphore_mem>>)
      %dma_wait3A_445 = arith.constant 0 : i32
      %dma_wait3A_446 = tpu.memref_slice %arg13[%add3A_26, %dma_wait3A_445] : memref<5248x128xf32, #tpu.memory_space<vmem_shared>> -> memref<40x128xf32, #tpu.memory_space<vmem_shared>>
      %dma_wait3A_447 = arith.constant 0 : i32
      %dma_wait3A_448 = tpu.memref_slice %arg13[%add3A_26, %dma_wait3A_447] : memref<5248x128xf32, #tpu.memory_space<vmem_shared>> -> memref<40x128xf32, #tpu.memory_space<vmem_shared>>
      tpu.wait_dma2 semaphore(%run_scoped3A : memref<!tpu.dma_semaphore, #tpu.memory_space<semaphore_mem>>) src(%arg12 : memref<40x128xf32, #tpu.memory_space<vmem>>) dst(%dma_wait3A_448 : memref<40x128xf32, #tpu.memory_space<vmem_shared>>)
      tpu.yield
    }) : () -> ()
    %mul3A_27 = arith.constant 320 : i32
    %mul3A_28 = arith.muli %arg1, %mul3A_27 : i32
    %add3A_29 = arith.constant 200 : i32
    %add3A_30 = arith.addi %mul3A_28, %add3A_29 : i32
    "tpu.region"() ({
      %run_scoped3A = tpu.sem_alloc : memref<!tpu.dma_semaphore, #tpu.memory_space<semaphore_mem>>
      %dma_start3A_441 = arith.constant 0 : i32
      %dma_start3A_442 = tpu.memref_slice %arg13[%add3A_30, %dma_start3A_441] : memref<5248x128xf32, #tpu.memory_space<vmem_shared>> -> memref<40x128xf32, #tpu.memory_space<vmem_shared>>
      %dma_start3A_443 = arith.constant 0 : i32
      %dma_start3A_444 = tpu.memref_slice %arg13[%add3A_30, %dma_start3A_443] : memref<5248x128xf32, #tpu.memory_space<vmem_shared>> -> memref<40x128xf32, #tpu.memory_space<vmem_shared>>
      tpu.enqueue_dma source(%arg12 : memref<40x128xf32, #tpu.memory_space<vmem>>) target(%dma_start3A_444 : memref<40x128xf32, #tpu.memory_space<vmem_shared>>) target_semaphore(%run_scoped3A : memref<!tpu.dma_semaphore, #tpu.memory_space<semaphore_mem>>)
      %dma_wait3A_445 = arith.constant 0 : i32
      %dma_wait3A_446 = tpu.memref_slice %arg13[%add3A_30, %dma_wait3A_445] : memref<5248x128xf32, #tpu.memory_space<vmem_shared>> -> memref<40x128xf32, #tpu.memory_space<vmem_shared>>
      %dma_wait3A_447 = arith.constant 0 : i32
      %dma_wait3A_448 = tpu.memref_slice %arg13[%add3A_30, %dma_wait3A_447] : memref<5248x128xf32, #tpu.memory_space<vmem_shared>> -> memref<40x128xf32, #tpu.memory_space<vmem_shared>>
      tpu.wait_dma2 semaphore(%run_scoped3A : memref<!tpu.dma_semaphore, #tpu.memory_space<semaphore_mem>>) src(%arg12 : memref<40x128xf32, #tpu.memory_space<vmem>>) dst(%dma_wait3A_448 : memref<40x128xf32, #tpu.memory_space<vmem_shared>>)
      tpu.yield
    }) : () -> ()
    %mul3A_31 = arith.constant 320 : i32
    %mul3A_32 = arith.muli %arg1, %mul3A_31 : i32
    %add3A_33 = arith.constant 240 : i32
    %add3A_34 = arith.addi %mul3A_32, %add3A_33 : i32
    "tpu.region"() ({
      %run_scoped3A = tpu.sem_alloc : memref<!tpu.dma_semaphore, #tpu.memory_space<semaphore_mem>>
      %dma_start3A_441 = arith.constant 0 : i32
      %dma_start3A_442 = tpu.memref_slice %arg13[%add3A_34, %dma_start3A_441] : memref<5248x128xf32, #tpu.memory_space<vmem_shared>> -> memref<40x128xf32, #tpu.memory_space<vmem_shared>>
      %dma_start3A_443 = arith.constant 0 : i32
      %dma_start3A_444 = tpu.memref_slice %arg13[%add3A_34, %dma_start3A_443] : memref<5248x128xf32, #tpu.memory_space<vmem_shared>> -> memref<40x128xf32, #tpu.memory_space<vmem_shared>>
      tpu.enqueue_dma source(%arg12 : memref<40x128xf32, #tpu.memory_space<vmem>>) target(%dma_start3A_444 : memref<40x128xf32, #tpu.memory_space<vmem_shared>>) target_semaphore(%run_scoped3A : memref<!tpu.dma_semaphore, #tpu.memory_space<semaphore_mem>>)
      %dma_wait3A_445 = arith.constant 0 : i32
      %dma_wait3A_446 = tpu.memref_slice %arg13[%add3A_34, %dma_wait3A_445] : memref<5248x128xf32, #tpu.memory_space<vmem_shared>> -> memref<40x128xf32, #tpu.memory_space<vmem_shared>>
      %dma_wait3A_447 = arith.constant 0 : i32
      %dma_wait3A_448 = tpu.memref_slice %arg13[%add3A_34, %dma_wait3A_447] : memref<5248x128xf32, #tpu.memory_space<vmem_shared>> -> memref<40x128xf32, #tpu.memory_space<vmem_shared>>
      tpu.wait_dma2 semaphore(%run_scoped3A : memref<!tpu.dma_semaphore, #tpu.memory_space<semaphore_mem>>) src(%arg12 : memref<40x128xf32, #tpu.memory_space<vmem>>) dst(%dma_wait3A_448 : memref<40x128xf32, #tpu.memory_space<vmem_shared>>)
      tpu.yield
    }) : () -> ()
    %mul3A_35 = arith.constant 320 : i32
    %mul3A_36 = arith.muli %arg1, %mul3A_35 : i32
    %add3A_37 = arith.constant 280 : i32
    %add3A_38 = arith.addi %mul3A_36, %add3A_37 : i32
    "tpu.region"() ({
      %run_scoped3A = tpu.sem_alloc : memref<!tpu.dma_semaphore, #tpu.memory_space<semaphore_mem>>
      %dma_start3A_441 = arith.constant 0 : i32
      %dma_start3A_442 = tpu.memref_slice %arg13[%add3A_38, %dma_start3A_441] : memref<5248x128xf32, #tpu.memory_space<vmem_shared>> -> memref<40x128xf32, #tpu.memory_space<vmem_shared>>
      %dma_start3A_443 = arith.constant 0 : i32
      %dma_start3A_444 = tpu.memref_slice %arg13[%add3A_38, %dma_start3A_443] : memref<5248x128xf32, #tpu.memory_space<vmem_shared>> -> memref<40x128xf32, #tpu.memory_space<vmem_shared>>
      tpu.enqueue_dma source(%arg12 : memref<40x128xf32, #tpu.memory_space<vmem>>) target(%dma_start3A_444 : memref<40x128xf32, #tpu.memory_space<vmem_shared>>) target_semaphore(%run_scoped3A : memref<!tpu.dma_semaphore, #tpu.memory_space<semaphore_mem>>)
      %dma_wait3A_445 = arith.constant 0 : i32
      %dma_wait3A_446 = tpu.memref_slice %arg13[%add3A_38, %dma_wait3A_445] : memref<5248x128xf32, #tpu.memory_space<vmem_shared>> -> memref<40x128xf32, #tpu.memory_space<vmem_shared>>
      %dma_wait3A_447 = arith.constant 0 : i32
      %dma_wait3A_448 = tpu.memref_slice %arg13[%add3A_38, %dma_wait3A_447] : memref<5248x128xf32, #tpu.memory_space<vmem_shared>> -> memref<40x128xf32, #tpu.memory_space<vmem_shared>>
      tpu.wait_dma2 semaphore(%run_scoped3A : memref<!tpu.dma_semaphore, #tpu.memory_space<semaphore_mem>>) src(%arg12 : memref<40x128xf32, #tpu.memory_space<vmem>>) dst(%dma_wait3A_448 : memref<40x128xf32, #tpu.memory_space<vmem_shared>>)
      tpu.yield
    }) : () -> ()
    %broadcast_in_dim3A_39 = arith.constant 0 : i32
    %broadcast_in_dim3A_40 = vector.broadcast %broadcast_in_dim3A_39 : i32 to vector<16xi32>
    %scan3A_41 = arith.constant 0 : i32
    %scan3A_42 = arith.constant 10 : i32
    %scan3A_43 = arith.addi %scan3A_41, %scan3A_42 : i32
    %scan3A_44 = arith.constant 1 : i32
    %scan3A_45 = scf.for %scan3A_441 = %scan3A_41 to %scan3A_43 step %scan3A_44 iter_args(%scan3A_442 = %broadcast_in_dim3A_40) -> (vector<16xi32>)  : i32 {
      "tpu.region"() ({
        %run_scoped3A = tpu.sem_alloc : memref<!tpu.dma_semaphore, #tpu.memory_space<semaphore_mem>>
        %dma_start3A_470 = arith.constant 0 : i32
        %dma_start3A_471 = tpu.memref_slice %arg3[%arg1, %scan3A_441, %dma_start3A_470] : memref<16x10x2000xi32, #tpu.memory_space<hbm>> -> memref<1x1x2000xi32, #tpu.memory_space<hbm>>
        %dma_start3A_472 = tpu.memref_squeeze %dma_start3A_471 : memref<1x1x2000xi32, #tpu.memory_space<hbm>> -> memref<2000xi32, #tpu.memory_space<hbm>>
        %dma_start3A_473 = arith.constant 0 : i32
        %dma_start3A_474 = tpu.memref_slice %arg3[%arg1, %scan3A_441, %dma_start3A_473] : memref<16x10x2000xi32, #tpu.memory_space<hbm>> -> memref<1x1x2000xi32, #tpu.memory_space<hbm>>
        %dma_start3A_475 = tpu.memref_squeeze %dma_start3A_474 : memref<1x1x2000xi32, #tpu.memory_space<hbm>> -> memref<2000xi32, #tpu.memory_space<hbm>>
        tpu.enqueue_dma source(%dma_start3A_475 : memref<2000xi32, #tpu.memory_space<hbm>>) target(%arg6 : memref<2000xi32, #tpu.memory_space<vmem>>) target_semaphore(%run_scoped3A : memref<!tpu.dma_semaphore, #tpu.memory_space<semaphore_mem>>)
        %dma_wait3A_476 = arith.constant 0 : i32
        %dma_wait3A_477 = tpu.memref_slice %arg3[%arg1, %scan3A_441, %dma_wait3A_476] : memref<16x10x2000xi32, #tpu.memory_space<hbm>> -> memref<1x1x2000xi32, #tpu.memory_space<hbm>>
        %dma_wait3A_478 = tpu.memref_squeeze %dma_wait3A_477 : memref<1x1x2000xi32, #tpu.memory_space<hbm>> -> memref<2000xi32, #tpu.memory_space<hbm>>
        %dma_wait3A_479 = arith.constant 0 : i32
        %dma_wait3A_480 = tpu.memref_slice %arg3[%arg1, %scan3A_441, %dma_wait3A_479] : memref<16x10x2000xi32, #tpu.memory_space<hbm>> -> memref<1x1x2000xi32, #tpu.memory_space<hbm>>
        %dma_wait3A_481 = tpu.memref_squeeze %dma_wait3A_480 : memref<1x1x2000xi32, #tpu.memory_space<hbm>> -> memref<2000xi32, #tpu.memory_space<hbm>>
        tpu.wait_dma2 semaphore(%run_scoped3A : memref<!tpu.dma_semaphore, #tpu.memory_space<semaphore_mem>>) src(%dma_wait3A_481 : memref<2000xi32, #tpu.memory_space<hbm>>) dst(%arg6 : memref<2000xi32, #tpu.memory_space<vmem>>)
        tpu.yield
      }) : () -> ()
      "tpu.region"() ({
        %run_scoped3A = tpu.sem_alloc : memref<!tpu.dma_semaphore, #tpu.memory_space<semaphore_mem>>
        %dma_start3A_470 = arith.constant 0 : i32
        %dma_start3A_471 = tpu.memref_slice %arg4[%arg1, %scan3A_441, %dma_start3A_470] : memref<16x10x2000xi32, #tpu.memory_space<hbm>> -> memref<1x1x2000xi32, #tpu.memory_space<hbm>>
        %dma_start3A_472 = tpu.memref_squeeze %dma_start3A_471 : memref<1x1x2000xi32, #tpu.memory_space<hbm>> -> memref<2000xi32, #tpu.memory_space<hbm>>
        %dma_start3A_473 = arith.constant 0 : i32
        %dma_start3A_474 = tpu.memref_slice %arg4[%arg1, %scan3A_441, %dma_start3A_473] : memref<16x10x2000xi32, #tpu.memory_space<hbm>> -> memref<1x1x2000xi32, #tpu.memory_space<hbm>>
        %dma_start3A_475 = tpu.memref_squeeze %dma_start3A_474 : memref<1x1x2000xi32, #tpu.memory_space<hbm>> -> memref<2000xi32, #tpu.memory_space<hbm>>
        tpu.enqueue_dma source(%dma_start3A_475 : memref<2000xi32, #tpu.memory_space<hbm>>) target(%arg7 : memref<2000xi32, #tpu.memory_space<vmem>>) target_semaphore(%run_scoped3A : memref<!tpu.dma_semaphore, #tpu.memory_space<semaphore_mem>>)
        %dma_wait3A_476 = arith.constant 0 : i32
        %dma_wait3A_477 = tpu.memref_slice %arg4[%arg1, %scan3A_441, %dma_wait3A_476] : memref<16x10x2000xi32, #tpu.memory_space<hbm>> -> memref<1x1x2000xi32, #tpu.memory_space<hbm>>
        %dma_wait3A_478 = tpu.memref_squeeze %dma_wait3A_477 : memref<1x1x2000xi32, #tpu.memory_space<hbm>> -> memref<2000xi32, #tpu.memory_space<hbm>>
        %dma_wait3A_479 = arith.constant 0 : i32
        %dma_wait3A_480 = tpu.memref_slice %arg4[%arg1, %scan3A_441, %dma_wait3A_479] : memref<16x10x2000xi32, #tpu.memory_space<hbm>> -> memref<1x1x2000xi32, #tpu.memory_space<hbm>>
        %dma_wait3A_481 = tpu.memref_squeeze %dma_wait3A_480 : memref<1x1x2000xi32, #tpu.memory_space<hbm>> -> memref<2000xi32, #tpu.memory_space<hbm>>
        tpu.wait_dma2 semaphore(%run_scoped3A : memref<!tpu.dma_semaphore, #tpu.memory_space<semaphore_mem>>) src(%dma_wait3A_481 : memref<2000xi32, #tpu.memory_space<hbm>>) dst(%arg7 : memref<2000xi32, #tpu.memory_space<vmem>>)
        tpu.yield
      }) : () -> ()
      %scan3A_443 = arith.constant 0 : i32
      %scan3A_444 = arith.constant 31 : i32
      %scan3A_445 = arith.addi %scan3A_443, %scan3A_444 : i32
      %scan3A_446 = arith.constant 1 : i32
      %scan3A_447 = scf.for %scan3A_470 = %scan3A_443 to %scan3A_445 step %scan3A_446 iter_args(%scan3A_471 = %scan3A_442) -> (vector<16xi32>)  : i32 {
        %mul3A_472 = arith.constant 4 : i32
        %mul3A_473 = arith.muli %scan3A_470, %mul3A_472 : i32
        %add3A_474 = arith.constant 0 : i32
        %add3A_475 = arith.addi %mul3A_473, %add3A_474 : i32
        %mul3A_476 = arith.constant 16 : i32
        %mul3A_477 = arith.muli %add3A_475, %mul3A_476 : i32
        %get3A_478 = arith.index_cast %mul3A_477 : i32 to index
        %get3A_479 = tpu.vector_load %arg6[%get3A_478] {strides = array<i32>} : memref<2000xi32, #tpu.memory_space<vmem>>, vector<16xi32>,
        %add3A_480 = arith.constant 1 : i32
        %add3A_481 = arith.addi %mul3A_473, %add3A_480 : i32
        %mul3A_482 = arith.constant 16 : i32
        %mul3A_483 = arith.muli %add3A_481, %mul3A_482 : i32
        %get3A_484 = arith.index_cast %mul3A_483 : i32 to index
        %get3A_485 = tpu.vector_load %arg6[%get3A_484] {strides = array<i32>} : memref<2000xi32, #tpu.memory_space<vmem>>, vector<16xi32>,
        %add3A_486 = arith.constant 2 : i32
        %add3A_487 = arith.addi %mul3A_473, %add3A_486 : i32
        %mul3A_488 = arith.constant 16 : i32
        %mul3A_489 = arith.muli %add3A_487, %mul3A_488 : i32
        %get3A_490 = arith.index_cast %mul3A_489 : i32 to index
        %get3A_491 = tpu.vector_load %arg6[%get3A_490] {strides = array<i32>} : memref<2000xi32, #tpu.memory_space<vmem>>, vector<16xi32>,
        %add3A_492 = arith.constant 3 : i32
        %add3A_493 = arith.addi %mul3A_473, %add3A_492 : i32
        %mul3A_494 = arith.constant 16 : i32
        %mul3A_495 = arith.muli %add3A_493, %mul3A_494 : i32
        %get3A_496 = arith.index_cast %mul3A_495 : i32 to index
        %get3A_497 = tpu.vector_load %arg6[%get3A_496] {strides = array<i32>} : memref<2000xi32, #tpu.memory_space<vmem>>, vector<16xi32>,
        %add3A_498 = arith.constant 0 : i32
        %add3A_499 = arith.addi %mul3A_473, %add3A_498 : i32
        %mul3A_500 = arith.constant 16 : i32
        %mul3A_501 = arith.muli %add3A_499, %mul3A_500 : i32
        %get3A_502 = arith.index_cast %mul3A_501 : i32 to index
        %get3A_503 = tpu.vector_load %arg7[%get3A_502] {strides = array<i32>} : memref<2000xi32, #tpu.memory_space<vmem>>, vector<16xi32>,
        %add3A_504 = arith.constant 1 : i32
        %add3A_505 = arith.addi %mul3A_473, %add3A_504 : i32
        %mul3A_506 = arith.constant 16 : i32
        %mul3A_507 = arith.muli %add3A_505, %mul3A_506 : i32
        %get3A_508 = arith.index_cast %mul3A_507 : i32 to index
        %get3A_509 = tpu.vector_load %arg7[%get3A_508] {strides = array<i32>} : memref<2000xi32, #tpu.memory_space<vmem>>, vector<16xi32>,
        %add3A_510 = arith.constant 2 : i32
        %add3A_511 = arith.addi %mul3A_473, %add3A_510 : i32
        %mul3A_512 = arith.constant 16 : i32
        %mul3A_513 = arith.muli %add3A_511, %mul3A_512 : i32
        %get3A_514 = arith.index_cast %mul3A_513 : i32 to index
        %get3A_515 = tpu.vector_load %arg7[%get3A_514] {strides = array<i32>} : memref<2000xi32, #tpu.memory_space<vmem>>, vector<16xi32>,
        %add3A_516 = arith.constant 3 : i32
        %add3A_517 = arith.addi %mul3A_473, %add3A_516 : i32
        %mul3A_518 = arith.constant 16 : i32
        %mul3A_519 = arith.muli %add3A_517, %mul3A_518 : i32
        %get3A_520 = arith.index_cast %mul3A_519 : i32 to index
        %get3A_521 = tpu.vector_load %arg7[%get3A_520] {strides = array<i32>} : memref<2000xi32, #tpu.memory_space<vmem>>, vector<16xi32>,
        %sub3A_522 = vector.broadcast %mul3A_0 : i32 to vector<16xi32>
        %sub3A_523 = arith.subi %get3A_503, %sub3A_522 : vector<16xi32>
        %sub3A_524 = vector.broadcast %mul3A_0 : i32 to vector<16xi32>
        %sub3A_525 = arith.subi %get3A_509, %sub3A_524 : vector<16xi32>
        %sub3A_526 = vector.broadcast %mul3A_0 : i32 to vector<16xi32>
        %sub3A_527 = arith.subi %get3A_515, %sub3A_526 : vector<16xi32>
        %sub3A_528 = vector.broadcast %mul3A_0 : i32 to vector<16xi32>
        %sub3A_529 = arith.subi %get3A_521, %sub3A_528 : vector<16xi32>
        %ge3A_530 = arith.constant 0 : i32
        %ge3A_531 = vector.broadcast %ge3A_530 : i32 to vector<16xi32>
        %ge3A_532 = arith.cmpi sge, %sub3A_523, %ge3A_531 : vector<16xi32>
        %lt3A_533 = arith.constant 5120 : i32
        %lt3A_534 = vector.broadcast %lt3A_533 : i32 to vector<16xi32>
        %lt3A_535 = arith.cmpi slt, %sub3A_523, %lt3A_534 : vector<16xi32>
        %and3A_536 = arith.andi %ge3A_532, %lt3A_535 : vector<16xi1>
        %ge3A_537 = arith.constant 0 : i32
        %ge3A_538 = vector.broadcast %ge3A_537 : i32 to vector<16xi32>
        %ge3A_539 = arith.cmpi sge, %sub3A_525, %ge3A_538 : vector<16xi32>
        %lt3A_540 = arith.constant 5120 : i32
        %lt3A_541 = vector.broadcast %lt3A_540 : i32 to vector<16xi32>
        %lt3A_542 = arith.cmpi slt, %sub3A_525, %lt3A_541 : vector<16xi32>
        %and3A_543 = arith.andi %ge3A_539, %lt3A_542 : vector<16xi1>
        %ge3A_544 = arith.constant 0 : i32
        %ge3A_545 = vector.broadcast %ge3A_544 : i32 to vector<16xi32>
        %ge3A_546 = arith.cmpi sge, %sub3A_527, %ge3A_545 : vector<16xi32>
        %lt3A_547 = arith.constant 5120 : i32
        %lt3A_548 = vector.broadcast %lt3A_547 : i32 to vector<16xi32>
        %lt3A_549 = arith.cmpi slt, %sub3A_527, %lt3A_548 : vector<16xi32>
        %and3A_550 = arith.andi %ge3A_546, %lt3A_549 : vector<16xi1>
        %ge3A_551 = arith.constant 0 : i32
        %ge3A_552 = vector.broadcast %ge3A_551 : i32 to vector<16xi32>
        %ge3A_553 = arith.cmpi sge, %sub3A_529, %ge3A_552 : vector<16xi32>
        %lt3A_554 = arith.constant 5120 : i32
        %lt3A_555 = vector.broadcast %lt3A_554 : i32 to vector<16xi32>
        %lt3A_556 = arith.cmpi slt, %sub3A_529, %lt3A_555 : vector<16xi32>
        %and3A_557 = arith.andi %ge3A_553, %lt3A_556 : vector<16xi1>
        %convert_element_type3A_558 = arith.extui %and3A_536 : vector<16xi1> to vector<16xi32>
        %convert_element_type3A_559 = arith.extui %and3A_543 : vector<16xi1> to vector<16xi32>
        %convert_element_type3A_560 = arith.extui %and3A_550 : vector<16xi1> to vector<16xi32>
        %convert_element_type3A_561 = arith.extui %and3A_557 : vector<16xi1> to vector<16xi32>
        %broadcast_in_dim3A_562 = arith.constant true
        %broadcast_in_dim3A_563 = vector.broadcast %broadcast_in_dim3A_562 : i1 to vector<16xi1>
        %masked_cumsum3A_564 = tpu.scan <sum>, %convert_element_type3A_558 masked %broadcast_in_dim3A_563 : vector<16xi32>, vector<16xi1> -> vector<16xi32>
        %broadcast_in_dim3A_565 = arith.constant true
        %broadcast_in_dim3A_566 = vector.broadcast %broadcast_in_dim3A_565 : i1 to vector<16xi1>
        %masked_cumsum3A_567 = tpu.scan <sum>, %convert_element_type3A_559 masked %broadcast_in_dim3A_566 : vector<16xi32>, vector<16xi1> -> vector<16xi32>
        %broadcast_in_dim3A_568 = arith.constant true
        %broadcast_in_dim3A_569 = vector.broadcast %broadcast_in_dim3A_568 : i1 to vector<16xi1>
        %masked_cumsum3A_570 = tpu.scan <sum>, %convert_element_type3A_560 masked %broadcast_in_dim3A_569 : vector<16xi32>, vector<16xi1> -> vector<16xi32>
        %broadcast_in_dim3A_571 = arith.constant true
        %broadcast_in_dim3A_572 = vector.broadcast %broadcast_in_dim3A_571 : i1 to vector<16xi1>
        %masked_cumsum3A_573 = tpu.scan <sum>, %convert_element_type3A_561 masked %broadcast_in_dim3A_572 : vector<16xi32>, vector<16xi1> -> vector<16xi32>
        %all_reduce_population_count3A_574 = tpu.all_reduce %and3A_536 {dim = 0 : i64, kind = #tpu.reduction_kind<sum>} : vector<16xi1> -> vector<16xi32>
        %all_reduce_population_count3A_575 = tpu.all_reduce %and3A_543 {dim = 0 : i64, kind = #tpu.reduction_kind<sum>} : vector<16xi1> -> vector<16xi32>
        %all_reduce_population_count3A_576 = tpu.all_reduce %and3A_550 {dim = 0 : i64, kind = #tpu.reduction_kind<sum>} : vector<16xi1> -> vector<16xi32>
        %all_reduce_population_count3A_577 = tpu.all_reduce %and3A_557 {dim = 0 : i64, kind = #tpu.reduction_kind<sum>} : vector<16xi1> -> vector<16xi32>
        %add3A_578 = arith.addi %scan3A_471, %masked_cumsum3A_564 : vector<16xi32>
        %sub3A_579 = arith.subi %add3A_578, %convert_element_type3A_558 : vector<16xi32>
        tpu.vector_store_idx %arg8[%sub3A_579], %get3A_479 masked %and3A_536 : memref<20480xi32, #tpu.memory_space<vmem>>[vector<16xi32>], vector<16xi32>, vector<16xi1>
        %shift_right_arithmetic3A_580 = arith.constant 7 : i32
        %shift_right_arithmetic3A_581 = vector.broadcast %shift_right_arithmetic3A_580 : i32 to vector<16xi32>
        %shift_right_arithmetic3A_582 = arith.shrsi %sub3A_579, %shift_right_arithmetic3A_581 : vector<16xi32>
        %and3A_583 = arith.constant 127 : i32
        %and3A_584 = vector.broadcast %and3A_583 : i32 to vector<16xi32>
        %and3A_585 = arith.andi %sub3A_579, %and3A_584 : vector<16xi32>
        tpu.vector_store_idx %arg9[%shift_right_arithmetic3A_582, %and3A_585], %sub3A_523 masked %and3A_536 : memref<160x128xi32, #tpu.memory_space<vmem>>[vector<16xi32>, vector<16xi32>], vector<16xi32>, vector<16xi1>
        %add3A_586 = arith.addi %scan3A_471, %all_reduce_population_count3A_574 : vector<16xi32>
        %add3A_587 = arith.addi %add3A_586, %masked_cumsum3A_567 : vector<16xi32>
        %sub3A_588 = arith.subi %add3A_587, %convert_element_type3A_559 : vector<16xi32>
        tpu.vector_store_idx %arg8[%sub3A_588], %get3A_485 masked %and3A_543 : memref<20480xi32, #tpu.memory_space<vmem>>[vector<16xi32>], vector<16xi32>, vector<16xi1>
        %shift_right_arithmetic3A_589 = arith.constant 7 : i32
        %shift_right_arithmetic3A_590 = vector.broadcast %shift_right_arithmetic3A_589 : i32 to vector<16xi32>
        %shift_right_arithmetic3A_591 = arith.shrsi %sub3A_588, %shift_right_arithmetic3A_590 : vector<16xi32>
        %and3A_592 = arith.constant 127 : i32
        %and3A_593 = vector.broadcast %and3A_592 : i32 to vector<16xi32>
        %and3A_594 = arith.andi %sub3A_588, %and3A_593 : vector<16xi32>
        tpu.vector_store_idx %arg9[%shift_right_arithmetic3A_591, %and3A_594], %sub3A_525 masked %and3A_543 : memref<160x128xi32, #tpu.memory_space<vmem>>[vector<16xi32>, vector<16xi32>], vector<16xi32>, vector<16xi1>
        %add3A_595 = arith.addi %add3A_586, %all_reduce_population_count3A_575 : vector<16xi32>
        %add3A_596 = arith.addi %add3A_595, %masked_cumsum3A_570 : vector<16xi32>
        %sub3A_597 = arith.subi %add3A_596, %convert_element_type3A_560 : vector<16xi32>
        tpu.vector_store_idx %arg8[%sub3A_597], %get3A_491 masked %and3A_550 : memref<20480xi32, #tpu.memory_space<vmem>>[vector<16xi32>], vector<16xi32>, vector<16xi1>
        %shift_right_arithmetic3A_598 = arith.constant 7 : i32
        %shift_right_arithmetic3A_599 = vector.broadcast %shift_right_arithmetic3A_598 : i32 to vector<16xi32>
        %shift_right_arithmetic3A_600 = arith.shrsi %sub3A_597, %shift_right_arithmetic3A_599 : vector<16xi32>
        %and3A_601 = arith.constant 127 : i32
        %and3A_602 = vector.broadcast %and3A_601 : i32 to vector<16xi32>
        %and3A_603 = arith.andi %sub3A_597, %and3A_602 : vector<16xi32>
        tpu.vector_store_idx %arg9[%shift_right_arithmetic3A_600, %and3A_603], %sub3A_527 masked %and3A_550 : memref<160x128xi32, #tpu.memory_space<vmem>>[vector<16xi32>, vector<16xi32>], vector<16xi32>, vector<16xi1>
        %add3A_604 = arith.addi %add3A_595, %all_reduce_population_count3A_576 : vector<16xi32>
        %add3A_605 = arith.addi %add3A_604, %masked_cumsum3A_573 : vector<16xi32>
        %sub3A_606 = arith.subi %add3A_605, %convert_element_type3A_561 : vector<16xi32>
        tpu.vector_store_idx %arg8[%sub3A_606], %get3A_497 masked %and3A_557 : memref<20480xi32, #tpu.memory_space<vmem>>[vector<16xi32>], vector<16xi32>, vector<16xi1>
        %shift_right_arithmetic3A_607 = arith.constant 7 : i32
        %shift_right_arithmetic3A_608 = vector.broadcast %shift_right_arithmetic3A_607 : i32 to vector<16xi32>
        %shift_right_arithmetic3A_609 = arith.shrsi %sub3A_606, %shift_right_arithmetic3A_608 : vector<16xi32>
        %and3A_610 = arith.constant 127 : i32
        %and3A_611 = vector.broadcast %and3A_610 : i32 to vector<16xi32>
        %and3A_612 = arith.andi %sub3A_606, %and3A_611 : vector<16xi32>
        tpu.vector_store_idx %arg9[%shift_right_arithmetic3A_609, %and3A_612], %sub3A_529 masked %and3A_557 : memref<160x128xi32, #tpu.memory_space<vmem>>[vector<16xi32>, vector<16xi32>], vector<16xi32>, vector<16xi1>
        %add3A_613 = arith.addi %add3A_604, %all_reduce_population_count3A_577 : vector<16xi32>
        scf.yield %add3A_613 : vector<16xi32>
      }
      %scan3A_448 = arith.constant 31 : i32
      %get3A = arith.constant 1984 : index
      %get3A_449 = tpu.vector_load %arg6[%get3A] {strides = array<i32>} : memref<2000xi32, #tpu.memory_space<vmem>>, vector<16xi32>,
      %get3A_450 = arith.constant 1984 : index
      %get3A_451 = tpu.vector_load %arg7[%get3A_450] {strides = array<i32>} : memref<2000xi32, #tpu.memory_space<vmem>>, vector<16xi32>,
      %sub3A_452 = vector.broadcast %mul3A_0 : i32 to vector<16xi32>
      %sub3A_453 = arith.subi %get3A_451, %sub3A_452 : vector<16xi32>
      %ge3A = arith.constant 0 : i32
      %ge3A_454 = vector.broadcast %ge3A : i32 to vector<16xi32>
      %ge3A_455 = arith.cmpi sge, %sub3A_453, %ge3A_454 : vector<16xi32>
      %lt3A = arith.constant 5120 : i32
      %lt3A_456 = vector.broadcast %lt3A : i32 to vector<16xi32>
      %lt3A_457 = arith.cmpi slt, %sub3A_453, %lt3A_456 : vector<16xi32>
      %and3A_458 = arith.andi %ge3A_455, %lt3A_457 : vector<16xi1>
      %convert_element_type3A = arith.extui %and3A_458 : vector<16xi1> to vector<16xi32>
      %broadcast_in_dim3A_459 = arith.constant true
      %broadcast_in_dim3A_460 = vector.broadcast %broadcast_in_dim3A_459 : i1 to vector<16xi1>
      %masked_cumsum3A = tpu.scan <sum>, %convert_element_type3A masked %broadcast_in_dim3A_460 : vector<16xi32>, vector<16xi1> -> vector<16xi32>
      %add3A_461 = arith.addi %scan3A_447, %masked_cumsum3A : vector<16xi32>
      %sub3A_462 = arith.subi %add3A_461, %convert_element_type3A : vector<16xi32>
      tpu.vector_store_idx %arg8[%sub3A_462], %get3A_449 masked %and3A_458 : memref<20480xi32, #tpu.memory_space<vmem>>[vector<16xi32>], vector<16xi32>, vector<16xi1>
      %shift_right_arithmetic3A_463 = arith.constant 7 : i32
      %shift_right_arithmetic3A_464 = vector.broadcast %shift_right_arithmetic3A_463 : i32 to vector<16xi32>
      %shift_right_arithmetic3A_465 = arith.shrsi %sub3A_462, %shift_right_arithmetic3A_464 : vector<16xi32>
      %and3A_466 = arith.constant 127 : i32
      %and3A_467 = vector.broadcast %and3A_466 : i32 to vector<16xi32>
      %and3A_468 = arith.andi %sub3A_462, %and3A_467 : vector<16xi32>
      tpu.vector_store_idx %arg9[%shift_right_arithmetic3A_465, %and3A_468], %sub3A_453 masked %and3A_458 : memref<160x128xi32, #tpu.memory_space<vmem>>[vector<16xi32>, vector<16xi32>], vector<16xi32>, vector<16xi1>
      %all_reduce_population_count3A = tpu.all_reduce %and3A_458 {dim = 0 : i64, kind = #tpu.reduction_kind<sum>} : vector<16xi1> -> vector<16xi32>
      %add3A_469 = arith.addi %scan3A_447, %all_reduce_population_count3A : vector<16xi32>
      scf.yield %add3A_469 : vector<16xi32>
    }
    %scan3A_46 = arith.constant 10 : i32
    %slice3A = vector.extract_strided_slice %scan3A_45 {offsets = [0], sizes = [1], strides = [1]} : vector<16xi32> to vector<1xi32>
    %squeeze3A = vector.extract %slice3A[0] : i32 from vector<1xi32>
    %add3A_47 = arith.constant 0 : i32
    %add3A_48 = arith.addi %squeeze3A, %add3A_47 : i32
    %add3A_49 = vector.broadcast %add3A_48 : i32 to vector<16xi32>
    %add3A_50 = arith.addi %add3A_49, %iota3A : vector<16xi32>
    tpu.vector_store_idx %arg8[%add3A_50], %iota3A : memref<20480xi32, #tpu.memory_space<vmem>>[vector<16xi32>], vector<16xi32>,
    %shift_right_arithmetic3A = arith.constant 7 : i32
    %shift_right_arithmetic3A_51 = vector.broadcast %shift_right_arithmetic3A : i32 to vector<16xi32>
    %shift_right_arithmetic3A_52 = arith.shrsi %add3A_50, %shift_right_arithmetic3A_51 : vector<16xi32>
    %and3A = arith.constant 127 : i32
    %and3A_53 = vector.broadcast %and3A : i32 to vector<16xi32>
    %and3A_54 = arith.andi %add3A_50, %and3A_53 : vector<16xi32>
    %add3A_55 = arith.constant 5120 : i32
    %add3A_56 = vector.broadcast %add3A_55 : i32 to vector<16xi32>
    %add3A_57 = arith.addi %iota3A, %add3A_56 : vector<16xi32>
    tpu.vector_store_idx %arg9[%shift_right_arithmetic3A_52, %and3A_54], %add3A_57 : memref<160x128xi32, #tpu.memory_space<vmem>>[vector<16xi32>, vector<16xi32>], vector<16xi32>,
    %add3A_58 = arith.constant 16 : i32
    %add3A_59 = arith.addi %squeeze3A, %add3A_58 : i32
    %add3A_60 = vector.broadcast %add3A_59 : i32 to vector<16xi32>
    %add3A_61 = arith.addi %add3A_60, %iota3A : vector<16xi32>
    tpu.vector_store_idx %arg8[%add3A_61], %iota3A : memref<20480xi32, #tpu.memory_space<vmem>>[vector<16xi32>], vector<16xi32>,
    %shift_right_arithmetic3A_62 = arith.constant 7 : i32
    %shift_right_arithmetic3A_63 = vector.broadcast %shift_right_arithmetic3A_62 : i32 to vector<16xi32>
    %shift_right_arithmetic3A_64 = arith.shrsi %add3A_61, %shift_right_arithmetic3A_63 : vector<16xi32>
    %and3A_65 = arith.constant 127 : i32
    %and3A_66 = vector.broadcast %and3A_65 : i32 to vector<16xi32>
    %and3A_67 = arith.andi %add3A_61, %and3A_66 : vector<16xi32>
    %add3A_68 = arith.constant 5120 : i32
    %add3A_69 = vector.broadcast %add3A_68 : i32 to vector<16xi32>
    %add3A_70 = arith.addi %iota3A, %add3A_69 : vector<16xi32>
    tpu.vector_store_idx %arg9[%shift_right_arithmetic3A_64, %and3A_67], %add3A_70 : memref<160x128xi32, #tpu.memory_space<vmem>>[vector<16xi32>, vector<16xi32>], vector<16xi32>,
    %add3A_71 = arith.constant 32 : i32
    %add3A_72 = arith.addi %squeeze3A, %add3A_71 : i32
    %add3A_73 = vector.broadcast %add3A_72 : i32 to vector<16xi32>
    %add3A_74 = arith.addi %add3A_73, %iota3A : vector<16xi32>
    tpu.vector_store_idx %arg8[%add3A_74], %iota3A : memref<20480xi32, #tpu.memory_space<vmem>>[vector<16xi32>], vector<16xi32>,
    %shift_right_arithmetic3A_75 = arith.constant 7 : i32
    %shift_right_arithmetic3A_76 = vector.broadcast %shift_right_arithmetic3A_75 : i32 to vector<16xi32>
    %shift_right_arithmetic3A_77 = arith.shrsi %add3A_74, %shift_right_arithmetic3A_76 : vector<16xi32>
    %and3A_78 = arith.constant 127 : i32
    %and3A_79 = vector.broadcast %and3A_78 : i32 to vector<16xi32>
    %and3A_80 = arith.andi %add3A_74, %and3A_79 : vector<16xi32>
    %add3A_81 = arith.constant 5120 : i32
    %add3A_82 = vector.broadcast %add3A_81 : i32 to vector<16xi32>
    %add3A_83 = arith.addi %iota3A, %add3A_82 : vector<16xi32>
    tpu.vector_store_idx %arg9[%shift_right_arithmetic3A_77, %and3A_80], %add3A_83 : memref<160x128xi32, #tpu.memory_space<vmem>>[vector<16xi32>, vector<16xi32>], vector<16xi32>,
    %add3A_84 = arith.constant 48 : i32
    %add3A_85 = arith.addi %squeeze3A, %add3A_84 : i32
    %add3A_86 = vector.broadcast %add3A_85 : i32 to vector<16xi32>
    %add3A_87 = arith.addi %add3A_86, %iota3A : vector<16xi32>
    tpu.vector_store_idx %arg8[%add3A_87], %iota3A : memref<20480xi32, #tpu.memory_space<vmem>>[vector<16xi32>], vector<16xi32>,
    %shift_right_arithmetic3A_88 = arith.constant 7 : i32
    %shift_right_arithmetic3A_89 = vector.broadcast %shift_right_arithmetic3A_88 : i32 to vector<16xi32>
    %shift_right_arithmetic3A_90 = arith.shrsi %add3A_87, %shift_right_arithmetic3A_89 : vector<16xi32>
    %and3A_91 = arith.constant 127 : i32
    %and3A_92 = vector.broadcast %and3A_91 : i32 to vector<16xi32>
    %and3A_93 = arith.andi %add3A_87, %and3A_92 : vector<16xi32>
    %add3A_94 = arith.constant 5120 : i32
    %add3A_95 = vector.broadcast %add3A_94 : i32 to vector<16xi32>
    %add3A_96 = arith.addi %iota3A, %add3A_95 : vector<16xi32>
    tpu.vector_store_idx %arg9[%shift_right_arithmetic3A_90, %and3A_93], %add3A_96 : memref<160x128xi32, #tpu.memory_space<vmem>>[vector<16xi32>, vector<16xi32>], vector<16xi32>,
    %add3A_97 = arith.constant 64 : i32
    %add3A_98 = arith.addi %squeeze3A, %add3A_97 : i32
    %add3A_99 = vector.broadcast %add3A_98 : i32 to vector<16xi32>
    %add3A_100 = arith.addi %add3A_99, %iota3A : vector<16xi32>
    tpu.vector_store_idx %arg8[%add3A_100], %iota3A : memref<20480xi32, #tpu.memory_space<vmem>>[vector<16xi32>], vector<16xi32>,
    %shift_right_arithmetic3A_101 = arith.constant 7 : i32
    %shift_right_arithmetic3A_102 = vector.broadcast %shift_right_arithmetic3A_101 : i32 to vector<16xi32>
    %shift_right_arithmetic3A_103 = arith.shrsi %add3A_100, %shift_right_arithmetic3A_102 : vector<16xi32>
    %and3A_104 = arith.constant 127 : i32
    %and3A_105 = vector.broadcast %and3A_104 : i32 to vector<16xi32>
    %and3A_106 = arith.andi %add3A_100, %and3A_105 : vector<16xi32>
    %add3A_107 = arith.constant 5120 : i32
    %add3A_108 = vector.broadcast %add3A_107 : i32 to vector<16xi32>
    %add3A_109 = arith.addi %iota3A, %add3A_108 : vector<16xi32>
    tpu.vector_store_idx %arg9[%shift_right_arithmetic3A_103, %and3A_106], %add3A_109 : memref<160x128xi32, #tpu.memory_space<vmem>>[vector<16xi32>, vector<16xi32>], vector<16xi32>,
    %add3A_110 = arith.constant 80 : i32
    %add3A_111 = arith.addi %squeeze3A, %add3A_110 : i32
    %add3A_112 = vector.broadcast %add3A_111 : i32 to vector<16xi32>
    %add3A_113 = arith.addi %add3A_112, %iota3A : vector<16xi32>
    tpu.vector_store_idx %arg8[%add3A_113], %iota3A : memref<20480xi32, #tpu.memory_space<vmem>>[vector<16xi32>], vector<16xi32>,
    %shift_right_arithmetic3A_114 = arith.constant 7 : i32
    %shift_right_arithmetic3A_115 = vector.broadcast %shift_right_arithmetic3A_114 : i32 to vector<16xi32>
    %shift_right_arithmetic3A_116 = arith.shrsi %add3A_113, %shift_right_arithmetic3A_115 : vector<16xi32>
    %and3A_117 = arith.constant 127 : i32
    %and3A_118 = vector.broadcast %and3A_117 : i32 to vector<16xi32>
    %and3A_119 = arith.andi %add3A_113, %and3A_118 : vector<16xi32>
    %add3A_120 = arith.constant 5120 : i32
    %add3A_121 = vector.broadcast %add3A_120 : i32 to vector<16xi32>
    %add3A_122 = arith.addi %iota3A, %add3A_121 : vector<16xi32>
    tpu.vector_store_idx %arg9[%shift_right_arithmetic3A_116, %and3A_119], %add3A_122 : memref<160x128xi32, #tpu.memory_space<vmem>>[vector<16xi32>, vector<16xi32>], vector<16xi32>,
    %add3A_123 = arith.constant 96 : i32
    %add3A_124 = arith.addi %squeeze3A, %add3A_123 : i32
    %add3A_125 = vector.broadcast %add3A_124 : i32 to vector<16xi32>
    %add3A_126 = arith.addi %add3A_125, %iota3A : vector<16xi32>
    tpu.vector_store_idx %arg8[%add3A_126], %iota3A : memref<20480xi32, #tpu.memory_space<vmem>>[vector<16xi32>], vector<16xi32>,
    %shift_right_arithmetic3A_127 = arith.constant 7 : i32
    %shift_right_arithmetic3A_128 = vector.broadcast %shift_right_arithmetic3A_127 : i32 to vector<16xi32>
    %shift_right_arithmetic3A_129 = arith.shrsi %add3A_126, %shift_right_arithmetic3A_128 : vector<16xi32>
    %and3A_130 = arith.constant 127 : i32
    %and3A_131 = vector.broadcast %and3A_130 : i32 to vector<16xi32>
    %and3A_132 = arith.andi %add3A_126, %and3A_131 : vector<16xi32>
    %add3A_133 = arith.constant 5120 : i32
    %add3A_134 = vector.broadcast %add3A_133 : i32 to vector<16xi32>
    %add3A_135 = arith.addi %iota3A, %add3A_134 : vector<16xi32>
    tpu.vector_store_idx %arg9[%shift_right_arithmetic3A_129, %and3A_132], %add3A_135 : memref<160x128xi32, #tpu.memory_space<vmem>>[vector<16xi32>, vector<16xi32>], vector<16xi32>,
    %add3A_136 = arith.constant 112 : i32
    %add3A_137 = arith.addi %squeeze3A, %add3A_136 : i32
    %add3A_138 = vector.broadcast %add3A_137 : i32 to vector<16xi32>
    %add3A_139 = arith.addi %add3A_138, %iota3A : vector<16xi32>
    tpu.vector_store_idx %arg8[%add3A_139], %iota3A : memref<20480xi32, #tpu.memory_space<vmem>>[vector<16xi32>], vector<16xi32>,
    %shift_right_arithmetic3A_140 = arith.constant 7 : i32
    %shift_right_arithmetic3A_141 = vector.broadcast %shift_right_arithmetic3A_140 : i32 to vector<16xi32>
    %shift_right_arithmetic3A_142 = arith.shrsi %add3A_139, %shift_right_arithmetic3A_141 : vector<16xi32>
    %and3A_143 = arith.constant 127 : i32
    %and3A_144 = vector.broadcast %and3A_143 : i32 to vector<16xi32>
    %and3A_145 = arith.andi %add3A_139, %and3A_144 : vector<16xi32>
    %add3A_146 = arith.constant 5120 : i32
    %add3A_147 = vector.broadcast %add3A_146 : i32 to vector<16xi32>
    %add3A_148 = arith.addi %iota3A, %add3A_147 : vector<16xi32>
    tpu.vector_store_idx %arg9[%shift_right_arithmetic3A_142, %and3A_145], %add3A_148 : memref<160x128xi32, #tpu.memory_space<vmem>>[vector<16xi32>, vector<16xi32>], vector<16xi32>,
    %add3A_149 = arith.constant 128 : i32
    %add3A_150 = arith.addi %squeeze3A, %add3A_149 : i32
    %add3A_151 = vector.broadcast %add3A_150 : i32 to vector<16xi32>
    %add3A_152 = arith.addi %add3A_151, %iota3A : vector<16xi32>
    tpu.vector_store_idx %arg8[%add3A_152], %iota3A : memref<20480xi32, #tpu.memory_space<vmem>>[vector<16xi32>], vector<16xi32>,
    %shift_right_arithmetic3A_153 = arith.constant 7 : i32
    %shift_right_arithmetic3A_154 = vector.broadcast %shift_right_arithmetic3A_153 : i32 to vector<16xi32>
    %shift_right_arithmetic3A_155 = arith.shrsi %add3A_152, %shift_right_arithmetic3A_154 : vector<16xi32>
    %and3A_156 = arith.constant 127 : i32
    %and3A_157 = vector.broadcast %and3A_156 : i32 to vector<16xi32>
    %and3A_158 = arith.andi %add3A_152, %and3A_157 : vector<16xi32>
    %add3A_159 = arith.constant 5120 : i32
    %add3A_160 = vector.broadcast %add3A_159 : i32 to vector<16xi32>
    %add3A_161 = arith.addi %iota3A, %add3A_160 : vector<16xi32>
    tpu.vector_store_idx %arg9[%shift_right_arithmetic3A_155, %and3A_158], %add3A_161 : memref<160x128xi32, #tpu.memory_space<vmem>>[vector<16xi32>, vector<16xi32>], vector<16xi32>,
    %add3A_162 = arith.constant 144 : i32
    %add3A_163 = arith.addi %squeeze3A, %add3A_162 : i32
    %add3A_164 = vector.broadcast %add3A_163 : i32 to vector<16xi32>
    %add3A_165 = arith.addi %add3A_164, %iota3A : vector<16xi32>
    tpu.vector_store_idx %arg8[%add3A_165], %iota3A : memref<20480xi32, #tpu.memory_space<vmem>>[vector<16xi32>], vector<16xi32>,
    %shift_right_arithmetic3A_166 = arith.constant 7 : i32
    %shift_right_arithmetic3A_167 = vector.broadcast %shift_right_arithmetic3A_166 : i32 to vector<16xi32>
    %shift_right_arithmetic3A_168 = arith.shrsi %add3A_165, %shift_right_arithmetic3A_167 : vector<16xi32>
    %and3A_169 = arith.constant 127 : i32
    %and3A_170 = vector.broadcast %and3A_169 : i32 to vector<16xi32>
    %and3A_171 = arith.andi %add3A_165, %and3A_170 : vector<16xi32>
    %add3A_172 = arith.constant 5120 : i32
    %add3A_173 = vector.broadcast %add3A_172 : i32 to vector<16xi32>
    %add3A_174 = arith.addi %iota3A, %add3A_173 : vector<16xi32>
    tpu.vector_store_idx %arg9[%shift_right_arithmetic3A_168, %and3A_171], %add3A_174 : memref<160x128xi32, #tpu.memory_space<vmem>>[vector<16xi32>, vector<16xi32>], vector<16xi32>,
    %add3A_175 = arith.constant 160 : i32
    %add3A_176 = arith.addi %squeeze3A, %add3A_175 : i32
    %add3A_177 = vector.broadcast %add3A_176 : i32 to vector<16xi32>
    %add3A_178 = arith.addi %add3A_177, %iota3A : vector<16xi32>
    tpu.vector_store_idx %arg8[%add3A_178], %iota3A : memref<20480xi32, #tpu.memory_space<vmem>>[vector<16xi32>], vector<16xi32>,
    %shift_right_arithmetic3A_179 = arith.constant 7 : i32
    %shift_right_arithmetic3A_180 = vector.broadcast %shift_right_arithmetic3A_179 : i32 to vector<16xi32>
    %shift_right_arithmetic3A_181 = arith.shrsi %add3A_178, %shift_right_arithmetic3A_180 : vector<16xi32>
    %and3A_182 = arith.constant 127 : i32
    %and3A_183 = vector.broadcast %and3A_182 : i32 to vector<16xi32>
    %and3A_184 = arith.andi %add3A_178, %and3A_183 : vector<16xi32>
    %add3A_185 = arith.constant 5120 : i32
    %add3A_186 = vector.broadcast %add3A_185 : i32 to vector<16xi32>
    %add3A_187 = arith.addi %iota3A, %add3A_186 : vector<16xi32>
    tpu.vector_store_idx %arg9[%shift_right_arithmetic3A_181, %and3A_184], %add3A_187 : memref<160x128xi32, #tpu.memory_space<vmem>>[vector<16xi32>, vector<16xi32>], vector<16xi32>,
    %add3A_188 = arith.constant 176 : i32
    %add3A_189 = arith.addi %squeeze3A, %add3A_188 : i32
    %add3A_190 = vector.broadcast %add3A_189 : i32 to vector<16xi32>
    %add3A_191 = arith.addi %add3A_190, %iota3A : vector<16xi32>
    tpu.vector_store_idx %arg8[%add3A_191], %iota3A : memref<20480xi32, #tpu.memory_space<vmem>>[vector<16xi32>], vector<16xi32>,
    %shift_right_arithmetic3A_192 = arith.constant 7 : i32
    %shift_right_arithmetic3A_193 = vector.broadcast %shift_right_arithmetic3A_192 : i32 to vector<16xi32>
    %shift_right_arithmetic3A_194 = arith.shrsi %add3A_191, %shift_right_arithmetic3A_193 : vector<16xi32>
    %and3A_195 = arith.constant 127 : i32
    %and3A_196 = vector.broadcast %and3A_195 : i32 to vector<16xi32>
    %and3A_197 = arith.andi %add3A_191, %and3A_196 : vector<16xi32>
    %add3A_198 = arith.constant 5120 : i32
    %add3A_199 = vector.broadcast %add3A_198 : i32 to vector<16xi32>
    %add3A_200 = arith.addi %iota3A, %add3A_199 : vector<16xi32>
    tpu.vector_store_idx %arg9[%shift_right_arithmetic3A_194, %and3A_197], %add3A_200 : memref<160x128xi32, #tpu.memory_space<vmem>>[vector<16xi32>, vector<16xi32>], vector<16xi32>,
    %add3A_201 = arith.constant 192 : i32
    %add3A_202 = arith.addi %squeeze3A, %add3A_201 : i32
    %add3A_203 = vector.broadcast %add3A_202 : i32 to vector<16xi32>
    %add3A_204 = arith.addi %add3A_203, %iota3A : vector<16xi32>
    tpu.vector_store_idx %arg8[%add3A_204], %iota3A : memref<20480xi32, #tpu.memory_space<vmem>>[vector<16xi32>], vector<16xi32>,
    %shift_right_arithmetic3A_205 = arith.constant 7 : i32
    %shift_right_arithmetic3A_206 = vector.broadcast %shift_right_arithmetic3A_205 : i32 to vector<16xi32>
    %shift_right_arithmetic3A_207 = arith.shrsi %add3A_204, %shift_right_arithmetic3A_206 : vector<16xi32>
    %and3A_208 = arith.constant 127 : i32
    %and3A_209 = vector.broadcast %and3A_208 : i32 to vector<16xi32>
    %and3A_210 = arith.andi %add3A_204, %and3A_209 : vector<16xi32>
    %add3A_211 = arith.constant 5120 : i32
    %add3A_212 = vector.broadcast %add3A_211 : i32 to vector<16xi32>
    %add3A_213 = arith.addi %iota3A, %add3A_212 : vector<16xi32>
    tpu.vector_store_idx %arg9[%shift_right_arithmetic3A_207, %and3A_210], %add3A_213 : memref<160x128xi32, #tpu.memory_space<vmem>>[vector<16xi32>, vector<16xi32>], vector<16xi32>,
    %add3A_214 = arith.constant 208 : i32
    %add3A_215 = arith.addi %squeeze3A, %add3A_214 : i32
    %add3A_216 = vector.broadcast %add3A_215 : i32 to vector<16xi32>
    %add3A_217 = arith.addi %add3A_216, %iota3A : vector<16xi32>
    tpu.vector_store_idx %arg8[%add3A_217], %iota3A : memref<20480xi32, #tpu.memory_space<vmem>>[vector<16xi32>], vector<16xi32>,
    %shift_right_arithmetic3A_218 = arith.constant 7 : i32
    %shift_right_arithmetic3A_219 = vector.broadcast %shift_right_arithmetic3A_218 : i32 to vector<16xi32>
    %shift_right_arithmetic3A_220 = arith.shrsi %add3A_217, %shift_right_arithmetic3A_219 : vector<16xi32>
    %and3A_221 = arith.constant 127 : i32
    %and3A_222 = vector.broadcast %and3A_221 : i32 to vector<16xi32>
    %and3A_223 = arith.andi %add3A_217, %and3A_222 : vector<16xi32>
    %add3A_224 = arith.constant 5120 : i32
    %add3A_225 = vector.broadcast %add3A_224 : i32 to vector<16xi32>
    %add3A_226 = arith.addi %iota3A, %add3A_225 : vector<16xi32>
    tpu.vector_store_idx %arg9[%shift_right_arithmetic3A_220, %and3A_223], %add3A_226 : memref<160x128xi32, #tpu.memory_space<vmem>>[vector<16xi32>, vector<16xi32>], vector<16xi32>,
    %add3A_227 = arith.constant 224 : i32
    %add3A_228 = arith.addi %squeeze3A, %add3A_227 : i32
    %add3A_229 = vector.broadcast %add3A_228 : i32 to vector<16xi32>
    %add3A_230 = arith.addi %add3A_229, %iota3A : vector<16xi32>
    tpu.vector_store_idx %arg8[%add3A_230], %iota3A : memref<20480xi32, #tpu.memory_space<vmem>>[vector<16xi32>], vector<16xi32>,
    %shift_right_arithmetic3A_231 = arith.constant 7 : i32
    %shift_right_arithmetic3A_232 = vector.broadcast %shift_right_arithmetic3A_231 : i32 to vector<16xi32>
    %shift_right_arithmetic3A_233 = arith.shrsi %add3A_230, %shift_right_arithmetic3A_232 : vector<16xi32>
    %and3A_234 = arith.constant 127 : i32
    %and3A_235 = vector.broadcast %and3A_234 : i32 to vector<16xi32>
    %and3A_236 = arith.andi %add3A_230, %and3A_235 : vector<16xi32>
    %add3A_237 = arith.constant 5120 : i32
    %add3A_238 = vector.broadcast %add3A_237 : i32 to vector<16xi32>
    %add3A_239 = arith.addi %iota3A, %add3A_238 : vector<16xi32>
    tpu.vector_store_idx %arg9[%shift_right_arithmetic3A_233, %and3A_236], %add3A_239 : memref<160x128xi32, #tpu.memory_space<vmem>>[vector<16xi32>, vector<16xi32>], vector<16xi32>,
    %add3A_240 = arith.constant 240 : i32
    %add3A_241 = arith.addi %squeeze3A, %add3A_240 : i32
    %add3A_242 = vector.broadcast %add3A_241 : i32 to vector<16xi32>
    %add3A_243 = arith.addi %add3A_242, %iota3A : vector<16xi32>
    tpu.vector_store_idx %arg8[%add3A_243], %iota3A : memref<20480xi32, #tpu.memory_space<vmem>>[vector<16xi32>], vector<16xi32>,
    %shift_right_arithmetic3A_244 = arith.constant 7 : i32
    %shift_right_arithmetic3A_245 = vector.broadcast %shift_right_arithmetic3A_244 : i32 to vector<16xi32>
    %shift_right_arithmetic3A_246 = arith.shrsi %add3A_243, %shift_right_arithmetic3A_245 : vector<16xi32>
    %and3A_247 = arith.constant 127 : i32
    %and3A_248 = vector.broadcast %and3A_247 : i32 to vector<16xi32>
    %and3A_249 = arith.andi %add3A_243, %and3A_248 : vector<16xi32>
    %add3A_250 = arith.constant 5120 : i32
    %add3A_251 = vector.broadcast %add3A_250 : i32 to vector<16xi32>
    %add3A_252 = arith.addi %iota3A, %add3A_251 : vector<16xi32>
    tpu.vector_store_idx %arg9[%shift_right_arithmetic3A_246, %and3A_249], %add3A_252 : memref<160x128xi32, #tpu.memory_space<vmem>>[vector<16xi32>, vector<16xi32>], vector<16xi32>,
    %add3A_253 = arith.constant 256 : i32
    %add3A_254 = arith.addi %squeeze3A, %add3A_253 : i32
    %add3A_255 = vector.broadcast %add3A_254 : i32 to vector<16xi32>
    %add3A_256 = arith.addi %add3A_255, %iota3A : vector<16xi32>
    tpu.vector_store_idx %arg8[%add3A_256], %iota3A : memref<20480xi32, #tpu.memory_space<vmem>>[vector<16xi32>], vector<16xi32>,
    %shift_right_arithmetic3A_257 = arith.constant 7 : i32
    %shift_right_arithmetic3A_258 = vector.broadcast %shift_right_arithmetic3A_257 : i32 to vector<16xi32>
    %shift_right_arithmetic3A_259 = arith.shrsi %add3A_256, %shift_right_arithmetic3A_258 : vector<16xi32>
    %and3A_260 = arith.constant 127 : i32
    %and3A_261 = vector.broadcast %and3A_260 : i32 to vector<16xi32>
    %and3A_262 = arith.andi %add3A_256, %and3A_261 : vector<16xi32>
    %add3A_263 = arith.constant 5120 : i32
    %add3A_264 = vector.broadcast %add3A_263 : i32 to vector<16xi32>
    %add3A_265 = arith.addi %iota3A, %add3A_264 : vector<16xi32>
    tpu.vector_store_idx %arg9[%shift_right_arithmetic3A_259, %and3A_262], %add3A_265 : memref<160x128xi32, #tpu.memory_space<vmem>>[vector<16xi32>, vector<16xi32>], vector<16xi32>,
    %add3A_266 = arith.constant 272 : i32
    %add3A_267 = arith.addi %squeeze3A, %add3A_266 : i32
    %add3A_268 = vector.broadcast %add3A_267 : i32 to vector<16xi32>
    %add3A_269 = arith.addi %add3A_268, %iota3A : vector<16xi32>
    tpu.vector_store_idx %arg8[%add3A_269], %iota3A : memref<20480xi32, #tpu.memory_space<vmem>>[vector<16xi32>], vector<16xi32>,
    %shift_right_arithmetic3A_270 = arith.constant 7 : i32
    %shift_right_arithmetic3A_271 = vector.broadcast %shift_right_arithmetic3A_270 : i32 to vector<16xi32>
    %shift_right_arithmetic3A_272 = arith.shrsi %add3A_269, %shift_right_arithmetic3A_271 : vector<16xi32>
    %and3A_273 = arith.constant 127 : i32
    %and3A_274 = vector.broadcast %and3A_273 : i32 to vector<16xi32>
    %and3A_275 = arith.andi %add3A_269, %and3A_274 : vector<16xi32>
    %add3A_276 = arith.constant 5120 : i32
    %add3A_277 = vector.broadcast %add3A_276 : i32 to vector<16xi32>
    %add3A_278 = arith.addi %iota3A, %add3A_277 : vector<16xi32>
    tpu.vector_store_idx %arg9[%shift_right_arithmetic3A_272, %and3A_275], %add3A_278 : memref<160x128xi32, #tpu.memory_space<vmem>>[vector<16xi32>, vector<16xi32>], vector<16xi32>,
    %add3A_279 = arith.constant 288 : i32
    %add3A_280 = arith.addi %squeeze3A, %add3A_279 : i32
    %add3A_281 = vector.broadcast %add3A_280 : i32 to vector<16xi32>
    %add3A_282 = arith.addi %add3A_281, %iota3A : vector<16xi32>
    tpu.vector_store_idx %arg8[%add3A_282], %iota3A : memref<20480xi32, #tpu.memory_space<vmem>>[vector<16xi32>], vector<16xi32>,
    %shift_right_arithmetic3A_283 = arith.constant 7 : i32
    %shift_right_arithmetic3A_284 = vector.broadcast %shift_right_arithmetic3A_283 : i32 to vector<16xi32>
    %shift_right_arithmetic3A_285 = arith.shrsi %add3A_282, %shift_right_arithmetic3A_284 : vector<16xi32>
    %and3A_286 = arith.constant 127 : i32
    %and3A_287 = vector.broadcast %and3A_286 : i32 to vector<16xi32>
    %and3A_288 = arith.andi %add3A_282, %and3A_287 : vector<16xi32>
    %add3A_289 = arith.constant 5120 : i32
    %add3A_290 = vector.broadcast %add3A_289 : i32 to vector<16xi32>
    %add3A_291 = arith.addi %iota3A, %add3A_290 : vector<16xi32>
    tpu.vector_store_idx %arg9[%shift_right_arithmetic3A_285, %and3A_288], %add3A_291 : memref<160x128xi32, #tpu.memory_space<vmem>>[vector<16xi32>, vector<16xi32>], vector<16xi32>,
    %add3A_292 = arith.constant 304 : i32
    %add3A_293 = arith.addi %squeeze3A, %add3A_292 : i32
    %add3A_294 = vector.broadcast %add3A_293 : i32 to vector<16xi32>
    %add3A_295 = arith.addi %add3A_294, %iota3A : vector<16xi32>
    tpu.vector_store_idx %arg8[%add3A_295], %iota3A : memref<20480xi32, #tpu.memory_space<vmem>>[vector<16xi32>], vector<16xi32>,
    %shift_right_arithmetic3A_296 = arith.constant 7 : i32
    %shift_right_arithmetic3A_297 = vector.broadcast %shift_right_arithmetic3A_296 : i32 to vector<16xi32>
    %shift_right_arithmetic3A_298 = arith.shrsi %add3A_295, %shift_right_arithmetic3A_297 : vector<16xi32>
    %and3A_299 = arith.constant 127 : i32
    %and3A_300 = vector.broadcast %and3A_299 : i32 to vector<16xi32>
    %and3A_301 = arith.andi %add3A_295, %and3A_300 : vector<16xi32>
    %add3A_302 = arith.constant 5120 : i32
    %add3A_303 = vector.broadcast %add3A_302 : i32 to vector<16xi32>
    %add3A_304 = arith.addi %iota3A, %add3A_303 : vector<16xi32>
    tpu.vector_store_idx %arg9[%shift_right_arithmetic3A_298, %and3A_301], %add3A_304 : memref<160x128xi32, #tpu.memory_space<vmem>>[vector<16xi32>, vector<16xi32>], vector<16xi32>,
    %add3A_305 = arith.constant 320 : i32
    %add3A_306 = arith.addi %squeeze3A, %add3A_305 : i32
    %add3A_307 = vector.broadcast %add3A_306 : i32 to vector<16xi32>
    %add3A_308 = arith.addi %add3A_307, %iota3A : vector<16xi32>
    tpu.vector_store_idx %arg8[%add3A_308], %iota3A : memref<20480xi32, #tpu.memory_space<vmem>>[vector<16xi32>], vector<16xi32>,
    %shift_right_arithmetic3A_309 = arith.constant 7 : i32
    %shift_right_arithmetic3A_310 = vector.broadcast %shift_right_arithmetic3A_309 : i32 to vector<16xi32>
    %shift_right_arithmetic3A_311 = arith.shrsi %add3A_308, %shift_right_arithmetic3A_310 : vector<16xi32>
    %and3A_312 = arith.constant 127 : i32
    %and3A_313 = vector.broadcast %and3A_312 : i32 to vector<16xi32>
    %and3A_314 = arith.andi %add3A_308, %and3A_313 : vector<16xi32>
    %add3A_315 = arith.constant 5120 : i32
    %add3A_316 = vector.broadcast %add3A_315 : i32 to vector<16xi32>
    %add3A_317 = arith.addi %iota3A, %add3A_316 : vector<16xi32>
    tpu.vector_store_idx %arg9[%shift_right_arithmetic3A_311, %and3A_314], %add3A_317 : memref<160x128xi32, #tpu.memory_space<vmem>>[vector<16xi32>, vector<16xi32>], vector<16xi32>,
    %add3A_318 = arith.constant 336 : i32
    %add3A_319 = arith.addi %squeeze3A, %add3A_318 : i32
    %add3A_320 = vector.broadcast %add3A_319 : i32 to vector<16xi32>
    %add3A_321 = arith.addi %add3A_320, %iota3A : vector<16xi32>
    tpu.vector_store_idx %arg8[%add3A_321], %iota3A : memref<20480xi32, #tpu.memory_space<vmem>>[vector<16xi32>], vector<16xi32>,
    %shift_right_arithmetic3A_322 = arith.constant 7 : i32
    %shift_right_arithmetic3A_323 = vector.broadcast %shift_right_arithmetic3A_322 : i32 to vector<16xi32>
    %shift_right_arithmetic3A_324 = arith.shrsi %add3A_321, %shift_right_arithmetic3A_323 : vector<16xi32>
    %and3A_325 = arith.constant 127 : i32
    %and3A_326 = vector.broadcast %and3A_325 : i32 to vector<16xi32>
    %and3A_327 = arith.andi %add3A_321, %and3A_326 : vector<16xi32>
    %add3A_328 = arith.constant 5120 : i32
    %add3A_329 = vector.broadcast %add3A_328 : i32 to vector<16xi32>
    %add3A_330 = arith.addi %iota3A, %add3A_329 : vector<16xi32>
    tpu.vector_store_idx %arg9[%shift_right_arithmetic3A_324, %and3A_327], %add3A_330 : memref<160x128xi32, #tpu.memory_space<vmem>>[vector<16xi32>, vector<16xi32>], vector<16xi32>,
    %add3A_331 = arith.constant 352 : i32
    %add3A_332 = arith.addi %squeeze3A, %add3A_331 : i32
    %add3A_333 = vector.broadcast %add3A_332 : i32 to vector<16xi32>
    %add3A_334 = arith.addi %add3A_333, %iota3A : vector<16xi32>
    tpu.vector_store_idx %arg8[%add3A_334], %iota3A : memref<20480xi32, #tpu.memory_space<vmem>>[vector<16xi32>], vector<16xi32>,
    %shift_right_arithmetic3A_335 = arith.constant 7 : i32
    %shift_right_arithmetic3A_336 = vector.broadcast %shift_right_arithmetic3A_335 : i32 to vector<16xi32>
    %shift_right_arithmetic3A_337 = arith.shrsi %add3A_334, %shift_right_arithmetic3A_336 : vector<16xi32>
    %and3A_338 = arith.constant 127 : i32
    %and3A_339 = vector.broadcast %and3A_338 : i32 to vector<16xi32>
    %and3A_340 = arith.andi %add3A_334, %and3A_339 : vector<16xi32>
    %add3A_341 = arith.constant 5120 : i32
    %add3A_342 = vector.broadcast %add3A_341 : i32 to vector<16xi32>
    %add3A_343 = arith.addi %iota3A, %add3A_342 : vector<16xi32>
    tpu.vector_store_idx %arg9[%shift_right_arithmetic3A_337, %and3A_340], %add3A_343 : memref<160x128xi32, #tpu.memory_space<vmem>>[vector<16xi32>, vector<16xi32>], vector<16xi32>,
    %add3A_344 = arith.constant 368 : i32
    %add3A_345 = arith.addi %squeeze3A, %add3A_344 : i32
    %add3A_346 = vector.broadcast %add3A_345 : i32 to vector<16xi32>
    %add3A_347 = arith.addi %add3A_346, %iota3A : vector<16xi32>
    tpu.vector_store_idx %arg8[%add3A_347], %iota3A : memref<20480xi32, #tpu.memory_space<vmem>>[vector<16xi32>], vector<16xi32>,
    %shift_right_arithmetic3A_348 = arith.constant 7 : i32
    %shift_right_arithmetic3A_349 = vector.broadcast %shift_right_arithmetic3A_348 : i32 to vector<16xi32>
    %shift_right_arithmetic3A_350 = arith.shrsi %add3A_347, %shift_right_arithmetic3A_349 : vector<16xi32>
    %and3A_351 = arith.constant 127 : i32
    %and3A_352 = vector.broadcast %and3A_351 : i32 to vector<16xi32>
    %and3A_353 = arith.andi %add3A_347, %and3A_352 : vector<16xi32>
    %add3A_354 = arith.constant 5120 : i32
    %add3A_355 = vector.broadcast %add3A_354 : i32 to vector<16xi32>
    %add3A_356 = arith.addi %iota3A, %add3A_355 : vector<16xi32>
    tpu.vector_store_idx %arg9[%shift_right_arithmetic3A_350, %and3A_353], %add3A_356 : memref<160x128xi32, #tpu.memory_space<vmem>>[vector<16xi32>, vector<16xi32>], vector<16xi32>,
    %add3A_357 = arith.constant 384 : i32
    %add3A_358 = arith.addi %squeeze3A, %add3A_357 : i32
    %add3A_359 = vector.broadcast %add3A_358 : i32 to vector<16xi32>
    %add3A_360 = arith.addi %add3A_359, %iota3A : vector<16xi32>
    tpu.vector_store_idx %arg8[%add3A_360], %iota3A : memref<20480xi32, #tpu.memory_space<vmem>>[vector<16xi32>], vector<16xi32>,
    %shift_right_arithmetic3A_361 = arith.constant 7 : i32
    %shift_right_arithmetic3A_362 = vector.broadcast %shift_right_arithmetic3A_361 : i32 to vector<16xi32>
    %shift_right_arithmetic3A_363 = arith.shrsi %add3A_360, %shift_right_arithmetic3A_362 : vector<16xi32>
    %and3A_364 = arith.constant 127 : i32
    %and3A_365 = vector.broadcast %and3A_364 : i32 to vector<16xi32>
    %and3A_366 = arith.andi %add3A_360, %and3A_365 : vector<16xi32>
    %add3A_367 = arith.constant 5120 : i32
    %add3A_368 = vector.broadcast %add3A_367 : i32 to vector<16xi32>
    %add3A_369 = arith.addi %iota3A, %add3A_368 : vector<16xi32>
    tpu.vector_store_idx %arg9[%shift_right_arithmetic3A_363, %and3A_366], %add3A_369 : memref<160x128xi32, #tpu.memory_space<vmem>>[vector<16xi32>, vector<16xi32>], vector<16xi32>,
    %add3A_370 = arith.constant 127 : i32
    %add3A_371 = arith.addi %squeeze3A, %add3A_370 : i32
    %jit3A = arith.constant 128 : i32
    %div3A = arith.divsi %add3A_371, %jit3A : i32
    %sign3A = arith.constant 0 : i32
    %sign3A_372 = arith.cmpi sgt, %add3A_371, %sign3A : i32
    %sign3A_373 = arith.extui %sign3A_372 : i1 to i32
    %sign3A_374 = arith.constant 0 : i32
    %sign3A_375 = arith.cmpi slt, %add3A_371, %sign3A_374 : i32
    %sign3A_376 = arith.extui %sign3A_375 : i1 to i32
    %sign3A_377 = arith.subi %sign3A_373, %sign3A_376 : i32
    %sign3A_378 = arith.constant 0 : i32
    %sign3A_379 = arith.cmpi sgt, %jit3A, %sign3A_378 : i32
    %sign3A_380 = arith.extui %sign3A_379 : i1 to i32
    %sign3A_381 = arith.constant 0 : i32
    %sign3A_382 = arith.cmpi slt, %jit3A, %sign3A_381 : i32
    %sign3A_383 = arith.extui %sign3A_382 : i1 to i32
    %sign3A_384 = arith.subi %sign3A_380, %sign3A_383 : i32
    %ne3A = arith.cmpi ne, %sign3A_377, %sign3A_384 : i32
    %rem3A = arith.remsi %add3A_371, %jit3A : i32
    %ne3A_385 = arith.constant 0 : i32
    %ne3A_386 = arith.cmpi ne, %rem3A, %ne3A_385 : i32
    %and3A_387 = arith.andi %ne3A, %ne3A_386 : i1
    %sub3A = arith.constant 1 : i32
    %sub3A_388 = arith.subi %div3A, %sub3A : i32
    %select_n3A = arith.select %and3A_387, %sub3A_388, %div3A : i32
    %add3A_389 = arith.constant 1 : i32
    %add3A_390 = arith.addi %select_n3A, %add3A_389 : i32
    %jit3A_391 = arith.constant 2 : i32
    %div3A_392 = arith.divsi %add3A_390, %jit3A_391 : i32
    %sign3A_393 = arith.constant 0 : i32
    %sign3A_394 = arith.cmpi sgt, %add3A_390, %sign3A_393 : i32
    %sign3A_395 = arith.extui %sign3A_394 : i1 to i32
    %sign3A_396 = arith.constant 0 : i32
    %sign3A_397 = arith.cmpi slt, %add3A_390, %sign3A_396 : i32
    %sign3A_398 = arith.extui %sign3A_397 : i1 to i32
    %sign3A_399 = arith.subi %sign3A_395, %sign3A_398 : i32
    %sign3A_400 = arith.constant 0 : i32
    %sign3A_401 = arith.cmpi sgt, %jit3A_391, %sign3A_400 : i32
    %sign3A_402 = arith.extui %sign3A_401 : i1 to i32
    %sign3A_403 = arith.constant 0 : i32
    %sign3A_404 = arith.cmpi slt, %jit3A_391, %sign3A_403 : i32
    %sign3A_405 = arith.extui %sign3A_404 : i1 to i32
    %sign3A_406 = arith.subi %sign3A_402, %sign3A_405 : i32
    %ne3A_407 = arith.cmpi ne, %sign3A_399, %sign3A_406 : i32
    %rem3A_408 = arith.remsi %add3A_390, %jit3A_391 : i32
    %ne3A_409 = arith.constant 0 : i32
    %ne3A_410 = arith.cmpi ne, %rem3A_408, %ne3A_409 : i32
    %and3A_411 = arith.andi %ne3A_407, %ne3A_410 : i1
    %sub3A_412 = arith.constant 1 : i32
    %sub3A_413 = arith.subi %div3A_392, %sub3A_412 : i32
    %select_n3A_414 = arith.select %and3A_411, %sub3A_413, %div3A_392 : i32
    %dma_start3A = arith.constant 0 : i32
    %dma_start3A_415 = tpu.memref_slice %arg8[%dma_start3A] : memref<20480xi32, #tpu.memory_space<vmem>> -> memref<128xi32, #tpu.memory_space<vmem>>
    %dma_start3A_416 = arith.constant 0 : i32
    %dma_start3A_417 = arith.constant 0 : i32
    %dma_start3A_418 = tpu.memref_slice %arg2[%dma_start3A_416, %dma_start3A_417] : memref<10000x128xf32, #tpu.memory_space<hbm>> -> memref<10000x128xf32, #tpu.memory_space<hbm>>
    tpu.enqueue_indirect_dma source(%dma_start3A_418 : memref<10000x128xf32, #tpu.memory_space<hbm>>) target(%arg10 : memref<128x128xf32, #tpu.memory_space<vmem>>) offsets(%dma_start3A_415 : memref<128xi32, #tpu.memory_space<vmem>>) semaphore(%arg14 : memref<!tpu.dma_semaphore, #tpu.memory_space<semaphore_mem>>)
    %while3A = arith.constant 0 : i32
    %while3A_419 = arith.constant 0 : i32
    %while3A_420 = arith.subi %select_n3A_414, %while3A : i32
    %while3A_421 = arith.addi %while3A, %while3A_420 : i32
    %while3A_422 = arith.constant 1 : i32
    %while3A_423 = arith.divsi %while3A_420, %while3A_422 : i32
    %while3A_424 = arith.muli %while3A_423, %while3A_422 : i32
    %while3A_425 = arith.addi %while3A, %while3A_424 : i32
    %while3A_426 = arith.constant 1 : i32
    %while3A_427 = scf.for %while3A_441 = %while3A to %while3A_425 step %while3A_426 iter_args(%while3A_442 = %while3A_419) -> (i32)  : i32 {
      %mul3A_443 = arith.constant 2 : i32
      %mul3A_444 = arith.muli %while3A_441, %mul3A_443 : i32
      %add3A_445 = arith.constant 1 : i32
      %add3A_446 = arith.addi %mul3A_444, %add3A_445 : i32
      %mul3A_447 = arith.constant 128 : i32
      %mul3A_448 = arith.muli %add3A_446, %mul3A_447 : i32
      %dma_start3A_449 = tpu.memref_slice %arg8[%mul3A_448] : memref<20480xi32, #tpu.memory_space<vmem>> -> memref<128xi32, #tpu.memory_space<vmem>>
      %dma_start3A_450 = arith.constant 0 : i32
      %dma_start3A_451 = arith.constant 0 : i32
      %dma_start3A_452 = tpu.memref_slice %arg2[%dma_start3A_450, %dma_start3A_451] : memref<10000x128xf32, #tpu.memory_space<hbm>> -> memref<10000x128xf32, #tpu.memory_space<hbm>>
      tpu.enqueue_indirect_dma source(%dma_start3A_452 : memref<10000x128xf32, #tpu.memory_space<hbm>>) target(%arg11 : memref<128x128xf32, #tpu.memory_space<vmem>>) offsets(%dma_start3A_449 : memref<128xi32, #tpu.memory_space<vmem>>) semaphore(%arg15 : memref<!tpu.dma_semaphore, #tpu.memory_space<semaphore_mem>>)
      %mul3A_453 = arith.constant 128 : i32
      %mul3A_454 = arith.muli %mul3A_444, %mul3A_453 : i32
      %dma_wait3A_455 = tpu.memref_slice %arg8[%mul3A_454] : memref<20480xi32, #tpu.memory_space<vmem>> -> memref<128xi32, #tpu.memory_space<vmem>>
      %dma_wait3A_456 = arith.constant 0 : i32
      %dma_wait3A_457 = arith.constant 0 : i32
      %dma_wait3A_458 = tpu.memref_slice %arg2[%dma_wait3A_456, %dma_wait3A_457] : memref<10000x128xf32, #tpu.memory_space<hbm>> -> memref<10000x128xf32, #tpu.memory_space<hbm>>
      tpu.wait_indirect_dma semaphore(%arg14 : memref<!tpu.dma_semaphore, #tpu.memory_space<semaphore_mem>>) src(%dma_wait3A_458 : memref<10000x128xf32, #tpu.memory_space<hbm>>) dst(%arg10 : memref<128x128xf32, #tpu.memory_space<vmem>>)
      "tpu.region"() ({
        %run_scoped3A = tpu.sem_alloc : memref<!tpu.dma_semaphore, #tpu.memory_space<semaphore_mem>>
        %dma_start3A_478 = arith.constant 0 : i32
        %dma_start3A_479 = tpu.memref_slice %arg9[%mul3A_444, %dma_start3A_478] : memref<160x128xi32, #tpu.memory_space<vmem>> -> memref<1x128xi32, #tpu.memory_space<vmem>>
        %dma_start3A_480 = tpu.memref_squeeze %dma_start3A_479 : memref<1x128xi32, #tpu.memory_space<vmem>> -> memref<128xi32, #tpu.memory_space<vmem>>
        %dma_start3A_481 = arith.constant 0 : i32
        %dma_start3A_482 = arith.constant 0 : i32
        %dma_start3A_483 = tpu.memref_slice %arg13[%dma_start3A_481, %dma_start3A_482] : memref<5248x128xf32, #tpu.memory_space<vmem_shared>> -> memref<5248x128xf32, #tpu.memory_space<vmem_shared>>
        tpu.enqueue_indirect_dma source(%arg10 : memref<128x128xf32, #tpu.memory_space<vmem>>) target(%dma_start3A_483 : memref<5248x128xf32, #tpu.memory_space<vmem_shared>>) offsets(%dma_start3A_480 : memref<128xi32, #tpu.memory_space<vmem>>) semaphore(%run_scoped3A : memref<!tpu.dma_semaphore, #tpu.memory_space<semaphore_mem>>) {add = true}
        %dma_wait3A_484 = arith.constant 0 : i32
        %dma_wait3A_485 = tpu.memref_slice %arg9[%mul3A_444, %dma_wait3A_484] : memref<160x128xi32, #tpu.memory_space<vmem>> -> memref<1x128xi32, #tpu.memory_space<vmem>>
        %dma_wait3A_486 = tpu.memref_squeeze %dma_wait3A_485 : memref<1x128xi32, #tpu.memory_space<vmem>> -> memref<128xi32, #tpu.memory_space<vmem>>
        %dma_wait3A_487 = arith.constant 0 : i32
        %dma_wait3A_488 = arith.constant 0 : i32
        %dma_wait3A_489 = tpu.memref_slice %arg13[%dma_wait3A_487, %dma_wait3A_488] : memref<5248x128xf32, #tpu.memory_space<vmem_shared>> -> memref<5248x128xf32, #tpu.memory_space<vmem_shared>>
        tpu.wait_indirect_dma semaphore(%run_scoped3A : memref<!tpu.dma_semaphore, #tpu.memory_space<semaphore_mem>>) src(%arg10 : memref<128x128xf32, #tpu.memory_space<vmem>>) dst(%dma_wait3A_489 : memref<5248x128xf32, #tpu.memory_space<vmem_shared>>)
        tpu.yield
      }) : () -> ()
      %add3A_459 = arith.constant 2 : i32
      %add3A_460 = arith.addi %mul3A_444, %add3A_459 : i32
      %mul3A_461 = arith.constant 128 : i32
      %mul3A_462 = arith.muli %add3A_460, %mul3A_461 : i32
      %dma_start3A_463 = tpu.memref_slice %arg8[%mul3A_462] : memref<20480xi32, #tpu.memory_space<vmem>> -> memref<128xi32, #tpu.memory_space<vmem>>
      %dma_start3A_464 = arith.constant 0 : i32
      %dma_start3A_465 = arith.constant 0 : i32
      %dma_start3A_466 = tpu.memref_slice %arg2[%dma_start3A_464, %dma_start3A_465] : memref<10000x128xf32, #tpu.memory_space<hbm>> -> memref<10000x128xf32, #tpu.memory_space<hbm>>
      tpu.enqueue_indirect_dma source(%dma_start3A_466 : memref<10000x128xf32, #tpu.memory_space<hbm>>) target(%arg10 : memref<128x128xf32, #tpu.memory_space<vmem>>) offsets(%dma_start3A_463 : memref<128xi32, #tpu.memory_space<vmem>>) semaphore(%arg14 : memref<!tpu.dma_semaphore, #tpu.memory_space<semaphore_mem>>)
      %add3A_467 = arith.constant 1 : i32
      %add3A_468 = arith.addi %mul3A_444, %add3A_467 : i32
      %mul3A_469 = arith.constant 128 : i32
      %mul3A_470 = arith.muli %add3A_468, %mul3A_469 : i32
      %dma_wait3A_471 = tpu.memref_slice %arg8[%mul3A_470] : memref<20480xi32, #tpu.memory_space<vmem>> -> memref<128xi32, #tpu.memory_space<vmem>>
      %dma_wait3A_472 = arith.constant 0 : i32
      %dma_wait3A_473 = arith.constant 0 : i32
      %dma_wait3A_474 = tpu.memref_slice %arg2[%dma_wait3A_472, %dma_wait3A_473] : memref<10000x128xf32, #tpu.memory_space<hbm>> -> memref<10000x128xf32, #tpu.memory_space<hbm>>
      tpu.wait_indirect_dma semaphore(%arg15 : memref<!tpu.dma_semaphore, #tpu.memory_space<semaphore_mem>>) src(%dma_wait3A_474 : memref<10000x128xf32, #tpu.memory_space<hbm>>) dst(%arg11 : memref<128x128xf32, #tpu.memory_space<vmem>>)
      %add3A_475 = arith.constant 1 : i32
      %add3A_476 = arith.addi %mul3A_444, %add3A_475 : i32
      "tpu.region"() ({
        %run_scoped3A = tpu.sem_alloc : memref<!tpu.dma_semaphore, #tpu.memory_space<semaphore_mem>>
        %dma_start3A_478 = arith.constant 0 : i32
        %dma_start3A_479 = tpu.memref_slice %arg9[%add3A_476, %dma_start3A_478] : memref<160x128xi32, #tpu.memory_space<vmem>> -> memref<1x128xi32, #tpu.memory_space<vmem>>
        %dma_start3A_480 = tpu.memref_squeeze %dma_start3A_479 : memref<1x128xi32, #tpu.memory_space<vmem>> -> memref<128xi32, #tpu.memory_space<vmem>>
        %dma_start3A_481 = arith.constant 0 : i32
        %dma_start3A_482 = arith.constant 0 : i32
        %dma_start3A_483 = tpu.memref_slice %arg13[%dma_start3A_481, %dma_start3A_482] : memref<5248x128xf32, #tpu.memory_space<vmem_shared>> -> memref<5248x128xf32, #tpu.memory_space<vmem_shared>>
        tpu.enqueue_indirect_dma source(%arg11 : memref<128x128xf32, #tpu.memory_space<vmem>>) target(%dma_start3A_483 : memref<5248x128xf32, #tpu.memory_space<vmem_shared>>) offsets(%dma_start3A_480 : memref<128xi32, #tpu.memory_space<vmem>>) semaphore(%run_scoped3A : memref<!tpu.dma_semaphore, #tpu.memory_space<semaphore_mem>>) {add = true}
        %dma_wait3A_484 = arith.constant 0 : i32
        %dma_wait3A_485 = tpu.memref_slice %arg9[%add3A_476, %dma_wait3A_484] : memref<160x128xi32, #tpu.memory_space<vmem>> -> memref<1x128xi32, #tpu.memory_space<vmem>>
        %dma_wait3A_486 = tpu.memref_squeeze %dma_wait3A_485 : memref<1x128xi32, #tpu.memory_space<vmem>> -> memref<128xi32, #tpu.memory_space<vmem>>
        %dma_wait3A_487 = arith.constant 0 : i32
        %dma_wait3A_488 = arith.constant 0 : i32
        %dma_wait3A_489 = tpu.memref_slice %arg13[%dma_wait3A_487, %dma_wait3A_488] : memref<5248x128xf32, #tpu.memory_space<vmem_shared>> -> memref<5248x128xf32, #tpu.memory_space<vmem_shared>>
        tpu.wait_indirect_dma semaphore(%run_scoped3A : memref<!tpu.dma_semaphore, #tpu.memory_space<semaphore_mem>>) src(%arg11 : memref<128x128xf32, #tpu.memory_space<vmem>>) dst(%dma_wait3A_489 : memref<5248x128xf32, #tpu.memory_space<vmem_shared>>)
        tpu.yield
      }) : () -> ()
      %while3A_477 = arith.constant 0 : i32
      scf.yield %while3A_477 : i32
    }
    %while3A_428 = arith.constant 1 : i32
    %while3A_429 = scf.for %while3A_441 = %while3A_425 to %while3A_421 step %while3A_428 iter_args(%while3A_442 = %while3A_427) -> (i32)  : i32 {
      %mul3A_443 = arith.constant 2 : i32
      %mul3A_444 = arith.muli %while3A_441, %mul3A_443 : i32
      %add3A_445 = arith.constant 1 : i32
      %add3A_446 = arith.addi %mul3A_444, %add3A_445 : i32
      %mul3A_447 = arith.constant 128 : i32
      %mul3A_448 = arith.muli %add3A_446, %mul3A_447 : i32
      %dma_start3A_449 = tpu.memref_slice %arg8[%mul3A_448] : memref<20480xi32, #tpu.memory_space<vmem>> -> memref<128xi32, #tpu.memory_space<vmem>>
      %dma_start3A_450 = arith.constant 0 : i32
      %dma_start3A_451 = arith.constant 0 : i32
      %dma_start3A_452 = tpu.memref_slice %arg2[%dma_start3A_450, %dma_start3A_451] : memref<10000x128xf32, #tpu.memory_space<hbm>> -> memref<10000x128xf32, #tpu.memory_space<hbm>>
      tpu.enqueue_indirect_dma source(%dma_start3A_452 : memref<10000x128xf32, #tpu.memory_space<hbm>>) target(%arg11 : memref<128x128xf32, #tpu.memory_space<vmem>>) offsets(%dma_start3A_449 : memref<128xi32, #tpu.memory_space<vmem>>) semaphore(%arg15 : memref<!tpu.dma_semaphore, #tpu.memory_space<semaphore_mem>>)
      %mul3A_453 = arith.constant 128 : i32
      %mul3A_454 = arith.muli %mul3A_444, %mul3A_453 : i32
      %dma_wait3A_455 = tpu.memref_slice %arg8[%mul3A_454] : memref<20480xi32, #tpu.memory_space<vmem>> -> memref<128xi32, #tpu.memory_space<vmem>>
      %dma_wait3A_456 = arith.constant 0 : i32
      %dma_wait3A_457 = arith.constant 0 : i32
      %dma_wait3A_458 = tpu.memref_slice %arg2[%dma_wait3A_456, %dma_wait3A_457] : memref<10000x128xf32, #tpu.memory_space<hbm>> -> memref<10000x128xf32, #tpu.memory_space<hbm>>
      tpu.wait_indirect_dma semaphore(%arg14 : memref<!tpu.dma_semaphore, #tpu.memory_space<semaphore_mem>>) src(%dma_wait3A_458 : memref<10000x128xf32, #tpu.memory_space<hbm>>) dst(%arg10 : memref<128x128xf32, #tpu.memory_space<vmem>>)
      "tpu.region"() ({
        %run_scoped3A = tpu.sem_alloc : memref<!tpu.dma_semaphore, #tpu.memory_space<semaphore_mem>>
        %dma_start3A_478 = arith.constant 0 : i32
        %dma_start3A_479 = tpu.memref_slice %arg9[%mul3A_444, %dma_start3A_478] : memref<160x128xi32, #tpu.memory_space<vmem>> -> memref<1x128xi32, #tpu.memory_space<vmem>>
        %dma_start3A_480 = tpu.memref_squeeze %dma_start3A_479 : memref<1x128xi32, #tpu.memory_space<vmem>> -> memref<128xi32, #tpu.memory_space<vmem>>
        %dma_start3A_481 = arith.constant 0 : i32
        %dma_start3A_482 = arith.constant 0 : i32
        %dma_start3A_483 = tpu.memref_slice %arg13[%dma_start3A_481, %dma_start3A_482] : memref<5248x128xf32, #tpu.memory_space<vmem_shared>> -> memref<5248x128xf32, #tpu.memory_space<vmem_shared>>
        tpu.enqueue_indirect_dma source(%arg10 : memref<128x128xf32, #tpu.memory_space<vmem>>) target(%dma_start3A_483 : memref<5248x128xf32, #tpu.memory_space<vmem_shared>>) offsets(%dma_start3A_480 : memref<128xi32, #tpu.memory_space<vmem>>) semaphore(%run_scoped3A : memref<!tpu.dma_semaphore, #tpu.memory_space<semaphore_mem>>) {add = true}
        %dma_wait3A_484 = arith.constant 0 : i32
        %dma_wait3A_485 = tpu.memref_slice %arg9[%mul3A_444, %dma_wait3A_484] : memref<160x128xi32, #tpu.memory_space<vmem>> -> memref<1x128xi32, #tpu.memory_space<vmem>>
        %dma_wait3A_486 = tpu.memref_squeeze %dma_wait3A_485 : memref<1x128xi32, #tpu.memory_space<vmem>> -> memref<128xi32, #tpu.memory_space<vmem>>
        %dma_wait3A_487 = arith.constant 0 : i32
        %dma_wait3A_488 = arith.constant 0 : i32
        %dma_wait3A_489 = tpu.memref_slice %arg13[%dma_wait3A_487, %dma_wait3A_488] : memref<5248x128xf32, #tpu.memory_space<vmem_shared>> -> memref<5248x128xf32, #tpu.memory_space<vmem_shared>>
        tpu.wait_indirect_dma semaphore(%run_scoped3A : memref<!tpu.dma_semaphore, #tpu.memory_space<semaphore_mem>>) src(%arg10 : memref<128x128xf32, #tpu.memory_space<vmem>>) dst(%dma_wait3A_489 : memref<5248x128xf32, #tpu.memory_space<vmem_shared>>)
        tpu.yield
      }) : () -> ()
      %add3A_459 = arith.constant 2 : i32
      %add3A_460 = arith.addi %mul3A_444, %add3A_459 : i32
      %mul3A_461 = arith.constant 128 : i32
      %mul3A_462 = arith.muli %add3A_460, %mul3A_461 : i32
      %dma_start3A_463 = tpu.memref_slice %arg8[%mul3A_462] : memref<20480xi32, #tpu.memory_space<vmem>> -> memref<128xi32, #tpu.memory_space<vmem>>
      %dma_start3A_464 = arith.constant 0 : i32
      %dma_start3A_465 = arith.constant 0 : i32
      %dma_start3A_466 = tpu.memref_slice %arg2[%dma_start3A_464, %dma_start3A_465] : memref<10000x128xf32, #tpu.memory_space<hbm>> -> memref<10000x128xf32, #tpu.memory_space<hbm>>
      tpu.enqueue_indirect_dma source(%dma_start3A_466 : memref<10000x128xf32, #tpu.memory_space<hbm>>) target(%arg10 : memref<128x128xf32, #tpu.memory_space<vmem>>) offsets(%dma_start3A_463 : memref<128xi32, #tpu.memory_space<vmem>>) semaphore(%arg14 : memref<!tpu.dma_semaphore, #tpu.memory_space<semaphore_mem>>)
      %add3A_467 = arith.constant 1 : i32
      %add3A_468 = arith.addi %mul3A_444, %add3A_467 : i32
      %mul3A_469 = arith.constant 128 : i32
      %mul3A_470 = arith.muli %add3A_468, %mul3A_469 : i32
      %dma_wait3A_471 = tpu.memref_slice %arg8[%mul3A_470] : memref<20480xi32, #tpu.memory_space<vmem>> -> memref<128xi32, #tpu.memory_space<vmem>>
      %dma_wait3A_472 = arith.constant 0 : i32
      %dma_wait3A_473 = arith.constant 0 : i32
      %dma_wait3A_474 = tpu.memref_slice %arg2[%dma_wait3A_472, %dma_wait3A_473] : memref<10000x128xf32, #tpu.memory_space<hbm>> -> memref<10000x128xf32, #tpu.memory_space<hbm>>
      tpu.wait_indirect_dma semaphore(%arg15 : memref<!tpu.dma_semaphore, #tpu.memory_space<semaphore_mem>>) src(%dma_wait3A_474 : memref<10000x128xf32, #tpu.memory_space<hbm>>) dst(%arg11 : memref<128x128xf32, #tpu.memory_space<vmem>>)
      %add3A_475 = arith.constant 1 : i32
      %add3A_476 = arith.addi %mul3A_444, %add3A_475 : i32
      "tpu.region"() ({
        %run_scoped3A = tpu.sem_alloc : memref<!tpu.dma_semaphore, #tpu.memory_space<semaphore_mem>>
        %dma_start3A_478 = arith.constant 0 : i32
        %dma_start3A_479 = tpu.memref_slice %arg9[%add3A_476, %dma_start3A_478] : memref<160x128xi32, #tpu.memory_space<vmem>> -> memref<1x128xi32, #tpu.memory_space<vmem>>
        %dma_start3A_480 = tpu.memref_squeeze %dma_start3A_479 : memref<1x128xi32, #tpu.memory_space<vmem>> -> memref<128xi32, #tpu.memory_space<vmem>>
        %dma_start3A_481 = arith.constant 0 : i32
        %dma_start3A_482 = arith.constant 0 : i32
        %dma_start3A_483 = tpu.memref_slice %arg13[%dma_start3A_481, %dma_start3A_482] : memref<5248x128xf32, #tpu.memory_space<vmem_shared>> -> memref<5248x128xf32, #tpu.memory_space<vmem_shared>>
        tpu.enqueue_indirect_dma source(%arg11 : memref<128x128xf32, #tpu.memory_space<vmem>>) target(%dma_start3A_483 : memref<5248x128xf32, #tpu.memory_space<vmem_shared>>) offsets(%dma_start3A_480 : memref<128xi32, #tpu.memory_space<vmem>>) semaphore(%run_scoped3A : memref<!tpu.dma_semaphore, #tpu.memory_space<semaphore_mem>>) {add = true}
        %dma_wait3A_484 = arith.constant 0 : i32
        %dma_wait3A_485 = tpu.memref_slice %arg9[%add3A_476, %dma_wait3A_484] : memref<160x128xi32, #tpu.memory_space<vmem>> -> memref<1x128xi32, #tpu.memory_space<vmem>>
        %dma_wait3A_486 = tpu.memref_squeeze %dma_wait3A_485 : memref<1x128xi32, #tpu.memory_space<vmem>> -> memref<128xi32, #tpu.memory_space<vmem>>
        %dma_wait3A_487 = arith.constant 0 : i32
        %dma_wait3A_488 = arith.constant 0 : i32
        %dma_wait3A_489 = tpu.memref_slice %arg13[%dma_wait3A_487, %dma_wait3A_488] : memref<5248x128xf32, #tpu.memory_space<vmem_shared>> -> memref<5248x128xf32, #tpu.memory_space<vmem_shared>>
        tpu.wait_indirect_dma semaphore(%run_scoped3A : memref<!tpu.dma_semaphore, #tpu.memory_space<semaphore_mem>>) src(%arg11 : memref<128x128xf32, #tpu.memory_space<vmem>>) dst(%dma_wait3A_489 : memref<5248x128xf32, #tpu.memory_space<vmem_shared>>)
        tpu.yield
      }) : () -> ()
      %while3A_477 = arith.constant 0 : i32
      scf.yield %while3A_477 : i32
    }
    %mul3A_430 = arith.constant 2 : i32
    %mul3A_431 = arith.muli %select_n3A_414, %mul3A_430 : i32
    %mul3A_432 = arith.constant 128 : i32
    %mul3A_433 = arith.muli %mul3A_431, %mul3A_432 : i32
    %dma_wait3A = tpu.memref_slice %arg8[%mul3A_433] : memref<20480xi32, #tpu.memory_space<vmem>> -> memref<128xi32, #tpu.memory_space<vmem>>
    %dma_wait3A_434 = arith.constant 0 : i32
    %dma_wait3A_435 = arith.constant 0 : i32
    %dma_wait3A_436 = tpu.memref_slice %arg2[%dma_wait3A_434, %dma_wait3A_435] : memref<10000x128xf32, #tpu.memory_space<hbm>> -> memref<10000x128xf32, #tpu.memory_space<hbm>>
    tpu.wait_indirect_dma semaphore(%arg14 : memref<!tpu.dma_semaphore, #tpu.memory_space<semaphore_mem>>) src(%dma_wait3A_436 : memref<10000x128xf32, #tpu.memory_space<hbm>>) dst(%arg10 : memref<128x128xf32, #tpu.memory_space<vmem>>)
    %barrier3A = arith.constant 0 : index
    tpu.barrier barrier_id(%barrier3A)
    %mul3A_437 = arith.constant 328 : i32
    %mul3A_438 = arith.muli %arg1, %mul3A_437 : i32
    %mul3A_439 = arith.constant 328 : i32
    %mul3A_440 = arith.muli %arg1, %mul3A_439 : i32
    "tpu.region"() ({
      %run_scoped3A = tpu.sem_alloc : memref<!tpu.dma_semaphore, #tpu.memory_space<semaphore_mem>>
      %dma_start3A_441 = arith.constant 0 : i32
      %dma_start3A_442 = tpu.memref_slice %arg5[%arg0, %mul3A_440, %dma_start3A_441] : memref<2x5248x128xf32, #tpu.memory_space<hbm>> -> memref<1x328x128xf32, #tpu.memory_space<hbm>>
      %dma_start3A_443 = tpu.memref_squeeze %dma_start3A_442 : memref<1x328x128xf32, #tpu.memory_space<hbm>> -> memref<328x128xf32, #tpu.memory_space<hbm>>
      %dma_start3A_444 = arith.constant 0 : i32
      %dma_start3A_445 = tpu.memref_slice %arg13[%mul3A_438, %dma_start3A_444] : memref<5248x128xf32, #tpu.memory_space<vmem_shared>> -> memref<328x128xf32, #tpu.memory_space<vmem_shared>>
      tpu.enqueue_dma source(%dma_start3A_445 : memref<328x128xf32, #tpu.memory_space<vmem_shared>>) target(%dma_start3A_443 : memref<328x128xf32, #tpu.memory_space<hbm>>) target_semaphore(%run_scoped3A : memref<!tpu.dma_semaphore, #tpu.memory_space<semaphore_mem>>)
      %dma_wait3A_446 = arith.constant 0 : i32
      %dma_wait3A_447 = tpu.memref_slice %arg5[%arg0, %mul3A_440, %dma_wait3A_446] : memref<2x5248x128xf32, #tpu.memory_space<hbm>> -> memref<1x328x128xf32, #tpu.memory_space<hbm>>
      %dma_wait3A_448 = tpu.memref_squeeze %dma_wait3A_447 : memref<1x328x128xf32, #tpu.memory_space<hbm>> -> memref<328x128xf32, #tpu.memory_space<hbm>>
      %dma_wait3A_449 = arith.constant 0 : i32
      %dma_wait3A_450 = tpu.memref_slice %arg13[%mul3A_438, %dma_wait3A_449] : memref<5248x128xf32, #tpu.memory_space<vmem_shared>> -> memref<328x128xf32, #tpu.memory_space<vmem_shared>>
      tpu.wait_dma2 semaphore(%run_scoped3A : memref<!tpu.dma_semaphore, #tpu.memory_space<semaphore_mem>>) src(%dma_wait3A_450 : memref<328x128xf32, #tpu.memory_space<vmem_shared>>) dst(%dma_wait3A_448 : memref<328x128xf32, #tpu.memory_space<hbm>>)
      tpu.yield
    }) : () -> ()
    return
  }
}

module attributes {stable_mosaic.version = 14 : i64} {
  func.func @_mm_body(%arg0: memref<10000x128xf32, #tpu.memory_space<vmem>>, %arg1: memref<128x128xf32, #tpu.memory_space<vmem>>, %arg2: memref<10000x128xf32, #tpu.memory_space<vmem>>) attributes {dimension_semantics = [], scalar_prefetch = 0 : i64, scratch_operands = 0 : i64, tpu.core_type = #tpu.core_type<tc>} {
    %get3A = arith.constant 0 : index
    %get3A_0 = arith.constant 0 : index
    %get3A_1 = vector.load %arg0[%get3A, %get3A_0] : memref<10000x128xf32, #tpu.memory_space<vmem>>, vector<10000x128xf32>
    %get3A_2 = arith.constant 0 : index
    %get3A_3 = arith.constant 0 : index
    %get3A_4 = vector.load %arg1[%get3A_2, %get3A_3] : memref<128x128xf32, #tpu.memory_space<vmem>>, vector<128x128xf32>
    %dot_general3A = arith.constant dense<0.000000e+00> : vector<10000x128xf32>
    %dot_general3A_5 = tpu.matmul %get3A_1, %get3A_4, %dot_general3A {dimension_numbers = #tpu.dot_dimension_numbers<[1], [0], [0], [1], [0, 0, 1, 1], [], []>, transpose_lhs_hint = false} : vector<10000x128xf32>, vector<128x128xf32>, vector<10000x128xf32> -> vector<10000x128xf32>
    %swap3A = arith.constant 0 : index
    %swap3A_6 = arith.constant 0 : index
    %swap3A_7 = vector.load %arg2[%swap3A, %swap3A_6] : memref<10000x128xf32, #tpu.memory_space<vmem>>, vector<10000x128xf32>
    tpu.vector_store %arg2[%swap3A, %swap3A_6], %dot_general3A_5 {strides = array<i32>} : memref<10000x128xf32, #tpu.memory_space<vmem>>, vector<10000x128xf32>,
    return
  }
}

module attributes {stable_mosaic.version = 14 : i64} {
  func.func @_pre_body(%arg0: memref<10000x128xf32, #tpu.memory_space<vmem>>, %arg1: memref<2x10240xf32, #tpu.memory_space<vmem>>, %arg2: memref<10000x128xf32, #tpu.memory_space<vmem>>) attributes {dimension_semantics = [], scalar_prefetch = 0 : i64, scratch_operands = 0 : i64, tpu.core_type = #tpu.core_type<tc>} {
    %get3A = arith.constant 0 : index
    %get3A_0 = arith.constant 0 : index
    %get3A_1 = vector.load %arg1[%get3A, %get3A_0] : memref<2x10240xf32, #tpu.memory_space<vmem>>, vector<2x10240xf32>
    %slice3A = vector.extract_strided_slice %get3A_1 {offsets = [0, 0], sizes = [1, 10000], strides = [1, 1]} : vector<2x10240xf32> to vector<1x10000xf32>
    %squeeze3A = vector.shape_cast %slice3A : vector<1x10000xf32> to vector<10000xf32>
    %slice3A_2 = vector.extract_strided_slice %get3A_1 {offsets = [1, 0], sizes = [1, 10000], strides = [1, 1]} : vector<2x10240xf32> to vector<1x10000xf32>
    %squeeze3A_3 = vector.shape_cast %slice3A_2 : vector<1x10000xf32> to vector<10000xf32>
    %add3A = arith.addf %squeeze3A, %squeeze3A_3 : vector<10000xf32>
    %add3A_4 = arith.constant 1.000000e+00 : f32
    %add3A_5 = vector.broadcast %add3A_4 : f32 to vector<10000xf32>
    %add3A_6 = arith.addf %add3A, %add3A_5 : vector<10000xf32>
    %rsqrt3A = math.rsqrt %add3A_6 : vector<10000xf32>
    %get3A_7 = arith.constant 0 : index
    %get3A_8 = arith.constant 0 : index
    %get3A_9 = vector.load %arg0[%get3A_7, %get3A_8] : memref<10000x128xf32, #tpu.memory_space<vmem>>, vector<10000x128xf32>
    %broadcast_in_dim3A = vector.shape_cast %rsqrt3A : vector<10000xf32> to vector<10000x1xf32>
    %mul3A = vector.broadcast %broadcast_in_dim3A : vector<10000x1xf32> to vector<10000x128xf32>
    %mul3A_10 = arith.mulf %get3A_9, %mul3A : vector<10000x128xf32>
    %swap3A = arith.constant 0 : index
    %swap3A_11 = arith.constant 0 : index
    %swap3A_12 = vector.load %arg2[%swap3A, %swap3A_11] : memref<10000x128xf32, #tpu.memory_space<vmem>>, vector<10000x128xf32>
    tpu.vector_store %arg2[%swap3A, %swap3A_11], %mul3A_10 {strides = array<i32>} : memref<10000x128xf32, #tpu.memory_space<vmem>>, vector<10000x128xf32>,
    return
  }
}

module attributes {stable_mosaic.version = 14 : i64} {
  func.func @_post_body(%arg0: memref<2x5248x128xf32, #tpu.memory_space<vmem>>, %arg1: memref<10000x128xf32, #tpu.memory_space<vmem>>, %arg2: memref<2x10240xf32, #tpu.memory_space<vmem>>, %arg3: memref<128xf32, #tpu.memory_space<vmem>>, %arg4: memref<10000x128xf32, #tpu.memory_space<vmem>>) attributes {dimension_semantics = [], scalar_prefetch = 0 : i64, scratch_operands = 0 : i64, tpu.core_type = #tpu.core_type<tc>} {
    %get3A = arith.constant 0 : index
    %get3A_0 = arith.constant 0 : index
    %get3A_1 = arith.constant 0 : index
    %get3A_2 = vector.load %arg0[%get3A, %get3A_0, %get3A_1] : memref<2x5248x128xf32, #tpu.memory_space<vmem>>, vector<2x5248x128xf32>
    %slice3A = vector.extract_strided_slice %get3A_2 {offsets = [0, 0, 0], sizes = [1, 5120, 128], strides = [1, 1, 1]} : vector<2x5248x128xf32> to vector<1x5120x128xf32>
    %squeeze3A = vector.shape_cast %slice3A : vector<1x5120x128xf32> to vector<5120x128xf32>
    %slice3A_3 = vector.extract_strided_slice %get3A_2 {offsets = [1, 0, 0], sizes = [1, 4880, 128], strides = [1, 1, 1]} : vector<2x5248x128xf32> to vector<1x4880x128xf32>
    %squeeze3A_4 = vector.shape_cast %slice3A_3 : vector<1x4880x128xf32> to vector<4880x128xf32>
    %concatenate3A = tpu.concatenate %squeeze3A, %squeeze3A_4 in 0 : vector<5120x128xf32>, vector<4880x128xf32> -> vector<10000x128xf32>
    %get3A_5 = arith.constant 0 : index
    %get3A_6 = arith.constant 0 : index
    %get3A_7 = vector.load %arg2[%get3A_5, %get3A_6] : memref<2x10240xf32, #tpu.memory_space<vmem>>, vector<2x10240xf32>
    %slice3A_8 = vector.extract_strided_slice %get3A_7 {offsets = [0, 0], sizes = [1, 10000], strides = [1, 1]} : vector<2x10240xf32> to vector<1x10000xf32>
    %squeeze3A_9 = vector.shape_cast %slice3A_8 : vector<1x10000xf32> to vector<10000xf32>
    %slice3A_10 = vector.extract_strided_slice %get3A_7 {offsets = [1, 0], sizes = [1, 10000], strides = [1, 1]} : vector<2x10240xf32> to vector<1x10000xf32>
    %squeeze3A_11 = vector.shape_cast %slice3A_10 : vector<1x10000xf32> to vector<10000xf32>
    %add3A = arith.addf %squeeze3A_9, %squeeze3A_11 : vector<10000xf32>
    %add3A_12 = arith.constant 1.000000e+00 : f32
    %add3A_13 = vector.broadcast %add3A_12 : f32 to vector<10000xf32>
    %add3A_14 = arith.addf %add3A, %add3A_13 : vector<10000xf32>
    %rsqrt3A = math.rsqrt %add3A_14 : vector<10000xf32>
    %get3A_15 = arith.constant 0 : index
    %get3A_16 = arith.constant 0 : index
    %get3A_17 = vector.load %arg1[%get3A_15, %get3A_16] : memref<10000x128xf32, #tpu.memory_space<vmem>>, vector<10000x128xf32>
    %add3A_18 = arith.addf %concatenate3A, %get3A_17 : vector<10000x128xf32>
    %broadcast_in_dim3A = vector.shape_cast %rsqrt3A : vector<10000xf32> to vector<10000x1xf32>
    %mul3A = vector.broadcast %broadcast_in_dim3A : vector<10000x1xf32> to vector<10000x128xf32>
    %mul3A_19 = arith.mulf %add3A_18, %mul3A : vector<10000x128xf32>
    %get3A_20 = arith.constant 0 : index
    %get3A_21 = vector.load %arg3[%get3A_20] : memref<128xf32, #tpu.memory_space<vmem>>, vector<128xf32>
    %broadcast_in_dim3A_22 = vector.shape_cast %get3A_21 : vector<128xf32> to vector<1x128xf32>
    %add3A_23 = vector.broadcast %broadcast_in_dim3A_22 : vector<1x128xf32> to vector<10000x128xf32>
    %add3A_24 = arith.addf %mul3A_19, %add3A_23 : vector<10000x128xf32>
    %max3A = arith.constant 0.000000e+00 : f32
    %max3A_25 = vector.broadcast %max3A : f32 to vector<10000x128xf32>
    %max3A_26 = arith.maximumf %add3A_24, %max3A_25 : vector<10000x128xf32>
    %swap3A = arith.constant 0 : index
    %swap3A_27 = arith.constant 0 : index
    %swap3A_28 = vector.load %arg4[%swap3A, %swap3A_27] : memref<10000x128xf32, #tpu.memory_space<vmem>>, vector<10000x128xf32>
    tpu.vector_store %arg4[%swap3A, %swap3A_27], %max3A_26 {strides = array<i32>} : memref<10000x128xf32, #tpu.memory_space<vmem>>, vector<10000x128xf32>,
    return
  }
}

</mosaic_0001>

<sc_bundles>
// kernel: kernel.10.cloned.1.call-start
scs
__scs_entry_jumppad:
0x0: {  	(pc) =	sbr.rel $0x88, $3  }
0x1: {  	(tag) =	ssettag $0x0;
	lr =	simm.s32 $0x1  }
0x2: {  	[smem:$0x3F9D] =	sst lr;
	_ =	strace $0xD0000000  }
0x3: {  	_ = 	snop  }
0x4: {  	_ = 	snop  }
0x5: {  	_ = 	snop  }
0x6: {  	_ = 	snop  }
0x7: {  	_ = 	snop  }
__scs_overlays_trampoline_lowered:
0x8: {  	[smem:$0x3FAC] =	sst s0  }
0x9: {  	[smem:$0x3FAD] =	sst s1  }
0xa: {  	[smem:$0x3FAE] =	sst s2  }
0xb: {  	[smem:$0x3FAF] =	sst s3  }
0xc: {  	[smem:$0x3FB0] =	sst s4  }
0xd: {  	[smem:$0x3FB1] =	sst s5  }
0xe: {  	[smem:$0x3FB2] =	sst s6  }
0xf: {  	[smem:$0x3FB3] =	sst s7  }
0x10: {  	[smem:$0x3FB4] =	sst s8  }
0x11: {  	[smem:$0x3FB5] =	sst s9;
	s0 =	simm.s32 @!p0 $0x0  }
0x12: {  	s1 =	sld [smem:$0x3F9B];
	s0 =	simm.s32 @p0 $0x1  }
0x13: {  	[smem:$0x3FB6] =	sst s0;
	s0 =	simm.s32 @!p1 $0x0  }
0x14: {  	s2 =	sld [smem:$0x3F9A];
	s0 =	simm.s32 @p1 $0x1  }
0x15: {  	[smem:$0x3FB7] =	sst s0;
	s0 =	simm.s32 @!p2 $0x0  }
0x16: {  	s3 =	sld [smem:$0x3FDB];
	s0 =	simm.s32 @p2 $0x1  }
0x17: {  	s4 =	simm.s32 $0x1BF5;
	[smem:$0x3FB9] =	sst s0  }
0x18: {  	s0 =	sld [smem:$0x3F9C];
	_ =	swait.ge [sflag:s4], $0x0  }
0x19: {  	s7 =	sld [smem:$0x3F9D]  }
0x1a: {  	s8 =	sadd.s32 $0xFFFFE003, lr  }
0x1b: {  	s9 =	sadd.s32 $0xFFFFFEF7, lr;
	s5 =	simm.s32 $0xFFFFFFFF;
	p2 =	slt.u32 s8, $0xFFFFF086  }
0x1c: {  	p1 =	slt.u32 s9, $0xF7A;
	s5 =	simm.s32 @!p2 $0x0  }
0x1d: {  	s5 =	simm.s32 @p1 $0x1;
	p0 =	seq.s32 s7, s2  }
0x1e: {  	s7 =	smul.u32 @!p0 $0xF7A, s2;
	p2 =	seq.s32 @!p0 s5, $0x0  }
0x1f: {  	s9 =	smul.u32 $0xF7A, s1;
	s8 =	simm.s32 @!p0 $0x1BF5;
	p2 =	por !p2, p0  }
0x20: {  	[sflag:s8] =	ssyncset.s32 @!p0 $0xFFFFF086;
	s6 =	sadd.s32 @!p0 s3, s7;
	s7 =	simm.s32 @!p0 $0x108  }
0x21: {  	s3 =	sadd.s32 s3, s9;
	s6 =	sadd.s32 @!p0 $0x88, s6;
	s7 =	simm.s32 @p2 $0x1082  }
0x22: {  	[simem:s7], [sflag:s8] =	dma.local @!p0 [hbm:s6], $0xF7A  }
0x23: {  	s9 =	sor.u32 $0xD0000000, s2;
	s6 =	simm.s32 $0x108;
	_ =	swait.ge @!p0 [sflag:s8], $0x0  }
0x24: {  	s3 =	sadd.s32 $0x88, s3;
	s6 =	simm.s32 @!p1 $0x1082;
	[sflag:s4] =	ssyncset.s32 $0xFFFFF086  }
0x25: {  	[simem:s6], [sflag:s4] =	dma.local [hbm:s3], $0xF7A  }
0x26: {  	[smem:$0x3F9D] =	sst s1;
	(tag) =	ssettag s2;
	_ =	strace s9  }
0x27: {  	s1 =	sld [smem:$0x3FAD]  }
0x28: {  	s2 =	sld [smem:$0x3FAE]  }
0x29: {  	s4 =	sld [smem:$0x3FB0]  }
0x2a: {  	p0 =	seq.s32 s5, $0x0;
	s5 =	sld [smem:$0x3FB1]  }
0x2b: {  	s6 =	sld [smem:$0x3FB2]  }
0x2c: {  	s7 =	sld [smem:$0x3FB3]  }
0x2d: {  	s3 =	simm.s32 $0x108;
	s8 =	sld [smem:$0x3FB4]  }
0x2e: {  	s3 =	simm.s32 @!p0 $0x1082;
	s9 =	sld [smem:$0x3FB5]  }
0x2f: {  	lr =	sadd.s32 s0, s3;
	s0 =	sld [smem:$0x3FAC]  }
0x30: {  	s3 =	sld [smem:$0x3FAF]  }
0x31: {  	[smem:$0x3FB8] =	sst s10  }
0x32: {  	s10 =	sld [smem:$0x3FB6];
	_ =	sdelay $0x3  }
0x33: {  	p0 =	seq.s32 s10, $0x1;
	s10 =	sld [smem:$0x3FB8];
	_ =	sdelay $0x3  }
0x34: {  	[smem:$0x3FB8] =	sst s10  }
0x35: {  	s10 =	sld [smem:$0x3FB7];
	_ =	sdelay $0x3  }
0x36: {  	p1 =	seq.s32 s10, $0x1;
	s10 =	sld [smem:$0x3FB8];
	_ =	sdelay $0x3  }
0x37: {  	[smem:$0x3FB8] =	sst s10  }
0x38: {  	s10 =	sld [smem:$0x3FB9]  }
0x39: {  	_ = 	snop;
	(pc) =	sbr.ind lr, $3  }
0x3a: {  	_ = 	snop  }
0x3b: {  	_ = 	snop  }
0x3c: {  	p2 =	seq.s32 s10, $0x1;
	s10 =	sld [smem:$0x3FB8]  }
0x3d: {  	_ =	shalt  }
0x3e: {  	_ =	shalt  }
0x3f: {  	_ =	shalt  }
0x40: {  	_ =	shalt  }
0x41: {  	_ =	shalt  }
0x42: {  	_ =	shalt  }
0x43: {  	_ =	shalt  }
0x44: {  	_ =	shalt  }
0x45: {  	_ =	shalt  }
0x46: {  	_ =	shalt  }
0x47: {  	_ =	shalt  }
0x48: {  	_ =	shalt  }
0x49: {  	_ =	shalt  }
0x4a: {  	_ =	shalt  }
0x4b: {  	_ =	shalt  }
0x4c: {  	_ =	shalt  }
0x4d: {  	_ =	shalt  }
0x4e: {  	_ =	shalt  }
0x4f: {  	_ =	shalt  }
0x50: {  	_ =	shalt  }
0x51: {  	_ =	shalt  }
0x52: {  	_ =	shalt  }
0x53: {  	_ =	shalt  }
0x54: {  	_ =	shalt  }
0x55: {  	_ =	shalt  }
0x56: {  	_ =	shalt  }
0x57: {  	_ =	shalt  }
0x58: {  	_ =	shalt  }
0x59: {  	_ =	shalt  }
0x5a: {  	_ =	shalt  }
0x5b: {  	_ =	shalt  }
0x5c: {  	_ =	shalt  }
0x5d: {  	_ =	shalt  }
0x5e: {  	_ =	shalt  }
0x5f: {  	_ =	shalt  }
0x60: {  	_ =	shalt  }
0x61: {  	_ =	shalt  }
0x62: {  	_ =	shalt  }
0x63: {  	_ =	shalt  }
0x64: {  	_ =	shalt  }
0x65: {  	_ =	shalt  }
0x66: {  	_ =	shalt  }
0x67: {  	_ =	shalt  }
0x68: {  	_ =	shalt  }
0x69: {  	_ =	shalt  }
0x6a: {  	_ =	shalt  }
0x6b: {  	_ =	shalt  }
0x6c: {  	_ =	shalt  }
0x6d: {  	_ =	shalt  }
0x6e: {  	_ =	shalt  }
0x6f: {  	_ =	shalt  }
0x70: {  	_ =	shalt  }
0x71: {  	_ =	shalt  }
0x72: {  	_ =	shalt  }
0x73: {  	_ =	shalt  }
0x74: {  	_ =	shalt  }
0x75: {  	_ =	shalt  }
0x76: {  	_ =	shalt  }
0x77: {  	_ =	shalt  }
0x78: {  	_ =	shalt  }
0x79: {  	_ =	shalt  }
0x7a: {  	_ =	shalt  }
0x7b: {  	_ =	shalt  }
0x7c: {  	_ =	shalt  }
0x7d: {  	_ =	shalt  }
0x7e: {  	_ =	shalt  }
0x7f: {  	_ =	shalt  }
0x80: {  	_ =	shalt  }
0x81: {  	_ =	shalt  }
0x82: {  	_ =	shalt  }
0x83: {  	_ =	shalt  }
0x84: {  	_ =	shalt  }
0x85: {  	_ =	shalt  }
0x86: {  	_ =	shalt  }
0x87: {  	_ =	shalt  }
.Lfunc_end0:
.L_simem_size_0:
called_computation.1_lowered:
.L_overlay_start_0:
0x88: {  	s2 =	sld [smem:$0x3FD9]  }
0x89: {  	s3 =	sld [smem:$0x3FFE];
	_ =	sdelay $0x1  }
0x8a: {  	s1 =	srdreg.scid  }
0x8b: {  	s0 =	sand.u32 $0x1, s1  }
0x8c: {  	s17 =	sshll.u32 s0, $0xA;
	s2 =	sadd.s32 s3, s2  }
0x8d: {  	s2 =	sadd.s32 s2, s17  }
0x8e: {  	[smem:$0x3FC4] =	sst s2  }
0x8f: {  	_ = 	snop  }
0x90: {  	s2 =	sld [smem:$0x3FD0];
	(tm) =	ssettm $0x1  }
0x91: {  	s18 =	sld [smem:$0x3FFB];
	_ =	sdelay $0x3  }
0x92: {  	_ =	strace s18  }
0x93: {  	s3 =	sld [smem:$0x3FFC];
	_ =	sdelay $0x3  }
0x94: {  	_ =	strace s3  }
0x95: {  	s3 =	sld [smem:$0x3FFD];
	_ =	sdelay $0x3  }
0x96: {  	_ =	strace s3  }
0x97: {  	_ =	strace $0x8FFFFFFF  }
0x98: {  	s19 =	sld [smem:$0x3FDB];
	_ =	sdelay $0x1  }
0x99: {  	s4 =	simm.s32 $_scs_section_size  }
0x9a: {  	s5 =	simm.s32 $_size__tile_overlayer_lowered;
	s6 =	simm.s32 $_tile_overlayer_lowered  }
0x9b: {  	s22 =	simm.s32 $0x1BFF;
	s21 =	sshll.u32 s6, $0x1;
	s3 =	sadd.s32 s4, s19  }
0x9c: {  	s7 =	simm.s32 $0x0;
	s20 =	sshll.u32 s5, $0x1;
	s5 =	sadd.s32 s21, s3  }
0x9d: {  	[timem:s7], [sflag:s22] =	dma.local [hbm:s5], s20  }
0x9e: {  	_ =	swait.ge [sflag:s22], s20  }
0x9f: {  	s4 =	ssub.s32 $0x0, s20;
	[sflag:s22] =	ssyncset.done $0x0  }
0xa0: {  	[sflag:s22] =	ssyncadd.s32 s4;
	_ =	sdelay $0x1  }
0xa1: {  	s23 =	simm.s32 $0x1B8B  }
0xa2: {  	_ =	swait.ge [sflag:s23], $0x1  }
0xa3: {  	[sflag:s23] =	ssyncset.done $0x0  }
0xa4: {  	s25 =	simm.s32 $0x1B8E;
	s24 =	sld [smem:$0x3FFE];
	[sflag:s23] =	ssyncadd.s32 $0xFFFFFFFF  }
0xa5: {  	s26 =	simm.s32 $execute0_lowered;
	[smem:$0x3FD2] =	sst s25  }
0xa6: {  	s5 =	sshll.u32 s26, $0x1;
	_ =	strace $0x80000049;
	[dreg:$0x1] =	wrdreg $0xFFFFFFFF  }
0xa7: {  	s28 =	simm.s32 $_size_execute0_lowered;
	s3 =	sadd.s32 s3, s5;
	[dreg:$0x0] =	wrdreg $0x0  }
0xa8: {  	s5 =	sshll.u32 s28, $0x1;
	[dreg:$0x2] =	wrdreg s3  }
0xa9: {  	[dreg:$0x3] =	wrdreg s5  }
0xaa: {  	[dreg:$0x4] =	wrdreg $0xC0  }
0xab: {  	_ =	task [dreg:s7], $0x5FFFF  }
0xac: {  	[dreg:$0x1] =	wrdreg $0xFFFFFFFF  }
0xad: {  	[dreg:$0x0] =	wrdreg $0x60  }
0xae: {  	[dreg:$0x2] =	wrdreg s2  }
0xaf: {  	[dreg:$0x3] =	wrdreg s24  }
0xb0: {  	[dreg:$0x4] =	wrdreg $0x144000  }
0xb1: {  	[dreg:$0x5] =	wrdreg $0x9  }
0xb2: {  	_ =	task.clear_ibuf [dreg:s7], $0x6FFFF;
	_ =	strace $0x90000049  }
0xb3: {  	s29 =	simm.s32 $0x9;
	_ =	strace $0x8000004B  }
0xb4: {  	_ =	swait.ge [sflag:s29], $0x1  }
0xb5: {  	[sflag:s29] =	ssyncadd.s32 $0xFFFFFFFF  }
0xb6: {  	_ =	strace $0x9000004B  }
0xb7: {  	_ =	sfence  }
0xb8: {  	s30 =	sld [smem:$0x0];
	_ =	sdelay $0x2  }
0xb9: {  	s31 =	sshll.u32 s1, $0xD;
	s1 =	sshrl.u32 s1, $0x2  }
0xba: {  	s3 =	sand.u32 $0x4000, s31;
	s1 =	sadd.s32 s1, s30  }
0xbb: {  	s0 =	sor.u32 s3, s0;
	s1 =	sshll.u32 s1, $0x11  }
0xbc: {  	s0 =	sor.u32 s1, s0  }
0xbd: {  	s0 =	sadd.s32 $0x8F2B, s0  }
0xbe: {  	[sflag:s0] =	ssyncadd.remote.s32 $0x1  }
0xbf: {  	_ =	sfence.sel $0xFFFF  }
0xc0: {  	[dreg:$0x0] =	wrdreg $0xFFFFFFFF;
	(pc) =	sbr.abs _section_cstart, $3  }
0xc1: {  	[dreg:$0x1] =	wrdreg $0xFFFFFFFF  }
0xc2: {  	_ =	task.clear_ibuf [dreg:s7], $0x2FFFF;
	_ =	strace $0x9FFFFFFF  }
0xc3: {  	(tm) =	ssettm $0x7FFFFFFF  }
tec
execute0_lowered:
.L_overlay_start_1:
0x0: {  	(tag) =	ssettag $0x1  }
0x1: {  	s1 =	rddreg [dreg:$0x0]  }
0x2: {  	s0 =	rddreg [dreg:$0x1]  }
0x3: {  	s2 =	rddreg [dreg:$0x2]  }
0x4: {  	s3 =	srdreg.scid;
	s4 =	simm.s32 $0x0;
	s15 =	stileid.u32  }
0x5: {  	s18 =	simm.s32 $0x13000;
	s19 =	simm.s32 $0x3;
	s20 =	simm.s32 $0x80  }
0x6: {  	s21 =	simm.s32 $0x400;
	s22 =	simm.s32 $0x800;
	s23 =	simm.s32 $0x1000  }
0x7: {  	s28 =	simm.s32 $0xB000;
	s29 =	simm.s32 $0xF000;
	s8 =	smul.u32 $0xA400, s15  }
0x8: {  	s30 =	simm.s32 $0x2;
	s3 =	sand.u32 $0x1, s3;
	s9 =	smul.u32 $0x28000, s15  }
0x9: {  	[smem:$0x7FF] =	sst s4;
	s5 =	sadd.s32 $0x11E00, s0;
	s26 =	smul.u32 $0x29000, s15  }
0xa: {  	s6 =	sadd.s32 $0x1E00, s0;
	s15 =	sshll.u32 s15, $0xC;
	s7 =	smul.u32 $0xA4000, s3  }
0xb: {  	_ =	strace $0x8000004A;
	s24 =	ssub.s32 $0x2, s3;
	s3 =	smul.u32 $0x1400, s3  }
0xc: {  	s9 =	sshrl.u32 s9, $0x2;
	s10 =	sshrl.u32 s24, $0x1;
	s7 =	sadd.s32 s8, s7  }
0xd: {  	s8 =	ssub.s32 s24, s10;
	s24 =	simm.s32 $0x6000;
	s7 =	sshrl.u32 s7, $0x3  }
0xe: {  	s17 =	smax.u32 s8, $0x1;
	s0 =	sadd.s32 s7, s0;
	s7 =	sadd.s32 s9, s2  }
.Ltmp0:
0xf: {  	s9 =	sadd.s32 $0x1400, s7;
	s25 =	sadd.s32 $0x2800, s7;
	(pc) =	sbr.rel .LBB2_1-.Ltmp0, $4  }
0x10: {  	s10 =	sadd.s32 $0x3C00, s7;
	s11 =	sadd.s32 $0x5000, s7;
	s12 =	sadd.s32 $0x6400, s7  }
0x11: {  	s13 =	sadd.s32 $0x7800, s7;
	[dreg:$0x4] =	wrdreg s9;
	s9 =	sshrl.u32 s26, $0x2  }
0x12: {  	v1 =	vlaneseq.u32;
	v2 =	vimm.f32 $0.0e+00;
	s14 =	sadd.s32 $0x8C00, s7;
	s16 =	sadd.s32 $0x21E00, s0;
	s31 =	sadd.s32 s9, s2  }
0x13: {  	v3 =	vimm.s32 $0x0;
	v4 =	vor.u32 $0x1400, v1;
	v0 =	vmov s3;
	[dreg:$0x5] =	wrdreg s25;
	s26 =	simm.s32 $0x1;
	s25 =	sshrl.u32 s31, $0x3  }
.LBB2_9:
0x14: {  	s8 =	simm.s32 $0x6000  }
.LBB2_13:
0x15: {  	s9 =	sadd.s32 $0xFFFFFF80, s3;
	[sflag:s19] =	ssyncadd.s32 @p0 $0xFFFFC000  }
0x16: {  	[tilespmem:s29], [sflag:$0x2] =	stream.indirect.gather [hbm4b:s1+s20], $0x80, s9, s20, $0xb8;
	[tilespmem:$0x1E800] =	vst v63  }
0x17: {  	_ =	swait.ge [sflag:s26], $0x4000  }
0x18: {  	s8 =	sadd.s32 @p0 $0x100, s8;
	[sflag:s26] =	ssyncset.done $0x0  }
0x19: {  	s0 =	smov.u32 @p0 s8;
	[sflag:s26] =	ssyncadd.s32 $0xFFFFC000  }
0x1a: {  	[spmem:s2] =	stream.indirect.scatter.add.f32 [tilespmem:s28], [sflag:$0x3], $0x80, s0, s20, $0xb8;
	[tilespmem:$0x1E800] =	vst v63  }
0x1b: {  	_ =	swait.ge [sflag:s19], $0x4000  }
0x1c: {  	[sflag:s19] =	ssyncset.done $0x0  }
0x1d: {  	[sflag:s19] =	ssyncadd.s32 $0xFFFFC000  }
0x1e: {  	[tilespmem:s28], [sflag:$0x1] =	stream.indirect.gather [hbm4b:s1+s20], $0x80, s3, s20, $0xb8;
	[tilespmem:$0x1E800] =	vst v63  }
0x1f: {  	_ =	swait.ge [sflag:s30], $0x4000  }
0x20: {  	[sflag:s30] =	ssyncset.done $0x0  }
0x21: {  	s0 =	sadd.s32 $0x80, s0;
	[sflag:s30] =	ssyncadd.s32 $0xFFFFC000  }
0x22: {  	[spmem:s2] =	stream.indirect.scatter.add.f32 [tilespmem:s29], [sflag:$0x3], $0x80, s0, s20, $0xb8;
	[tilespmem:$0x1E800] =	vst v63  }
0x23: {  	_ =	swait.ge [sflag:s19], $0x4000  }
0x24: {  	[sflag:s19] =	ssyncset.done $0x0  }
0x25: {  	[sflag:s19] =	ssyncadd.s32 $0xFFFFC000  }
.LBB2_14:
0x26: {  	_ =	swait.ge [sflag:s26], $0x4000  }
0x27: {  	s0 =	stileid.u32;
	s4 =	sadd.s32 $0x1, s4;
	[sflag:s26] =	ssyncset.done $0x0  }
0x28: {  	s0 =	sshll.u32 s0, $0x6;
	p0 =	sne.s32 s4, s17;
	[sflag:s26] =	ssyncadd.s32 $0xFFFFC000  }
.Ltmp1:
0x29: {  	s0 =	sor.u32 $0x1C03, s0;
	[bflag:$0x0] =	sbarrier.arrive $0xFFFF;
	(pc) =	sbr.rel @!p0 .LBB2_15-.Ltmp1, $4  }
0x2a: {  	[hbm:s16], [sflag:s0] =	dma.local [spmem:s25], $0x1480  }
0x2b: {  	_ =	swait.ge [sflag:s19], $0x1480  }
0x2c: {  	[sflag:s19] =	ssyncset.done $0x0  }
0x2d: {  	[sflag:s19] =	ssyncadd.s32 $0xFFFFEB80  }
.LBB2_1:
0x2e: {  	s0 =	simm.s32 $0x0;
	s3 =	simm.s32 $0x200  }
.LBB2_2:
0x2f: {  	p0 =	sne.s32 s3, $0x4E00;
	[tilespmem:s0+$0x13070] =	vst v2  }
0x30: {  	[tilespmem:s0+$0x13000] =	vst v2  }
0x31: {  	[tilespmem:s0+$0x13010] =	vst v2  }
.Ltmp2:
0x32: {  	[tilespmem:s0+$0x13020] =	vst v2;
	(pc) =	sbr.rel @p0 .LBB2_2-.Ltmp2, $4  }
0x33: {  	[tilespmem:s0+$0x13030] =	vst v2  }
0x34: {  	[tilespmem:s0+$0x13040] =	vst v2  }
0x35: {  	[tilespmem:s0+$0x13050] =	vst v2  }
0x36: {  	[tilespmem:s0+$0x13060] =	vst v2;
	s0 =	sshra.s32 s3, $0x2;
	s3 =	sadd.s32 $0x200, s3  }
0x37: {  	[tilespmem:s0+$0x13070] =	vst v2  }
0x38: {  	[tilespmem:s0+$0x13000] =	vst v2  }
0x39: {  	[tilespmem:s0+$0x13010] =	vst v2  }
0x3a: {  	[tilespmem:s0+$0x13020] =	vst v2  }
0x3b: {  	[tilespmem:s0+$0x13030] =	vst v2  }
0x3c: {  	[tilespmem:s0+$0x13040] =	vst v2  }
0x3d: {  	[tilespmem:s0+$0x13050] =	vst v2  }
0x3e: {  	[tilespmem:s0+$0x13060] =	vst v2  }
0x3f: {  	[spmem:s7] =	stream.linear.scatter [tilespmem:s18], [sflag:$0x3], $0x1400, $0x38;
	[tilespmem:$0x1E800] =	vst v63  }
0x40: {  	_ =	swait.ge [sflag:s19], $0x1400  }
0x41: {  	[sflag:s19] =	ssyncset.done $0x0  }
0x42: {  	s8 =	rddreg [dreg:$0x4];
	[sflag:s19] =	ssyncadd.s32 $0xFFFFEC00  }
0x43: {  	[spmem:s8] =	stream.linear.scatter [tilespmem:s18], [sflag:$0x3], $0x1400, $0x38;
	[tilespmem:$0x1E800] =	vst v63  }
0x44: {  	_ =	swait.ge [sflag:s19], $0x1400  }
0x45: {  	[sflag:s19] =	ssyncset.done $0x0  }
0x46: {  	s9 =	rddreg [dreg:$0x5];
	[sflag:s19] =	ssyncadd.s32 $0xFFFFEC00  }
0x47: {  	[spmem:s9] =	stream.linear.scatter [tilespmem:s18], [sflag:$0x3], $0x1400, $0x38;
	[tilespmem:$0x1E800] =	vst v63  }
0x48: {  	_ =	swait.ge [sflag:s19], $0x1400  }
0x49: {  	[sflag:s19] =	ssyncset.done $0x0  }
0x4a: {  	[sflag:s19] =	ssyncadd.s32 $0xFFFFEC00  }
0x4b: {  	[spmem:s10] =	stream.linear.scatter [tilespmem:s18], [sflag:$0x3], $0x1400, $0x38;
	[tilespmem:$0x1E800] =	vst v63  }
0x4c: {  	_ =	swait.ge [sflag:s19], $0x1400  }
0x4d: {  	[sflag:s19] =	ssyncset.done $0x0  }
0x4e: {  	[sflag:s19] =	ssyncadd.s32 $0xFFFFEC00  }
0x4f: {  	[spmem:s11] =	stream.linear.scatter [tilespmem:s18], [sflag:$0x3], $0x1400, $0x38;
	[tilespmem:$0x1E800] =	vst v63  }
0x50: {  	_ =	swait.ge [sflag:s19], $0x1400  }
0x51: {  	[sflag:s19] =	ssyncset.done $0x0  }
0x52: {  	[sflag:s19] =	ssyncadd.s32 $0xFFFFEC00  }
0x53: {  	[spmem:s12] =	stream.linear.scatter [tilespmem:s18], [sflag:$0x3], $0x1400, $0x38;
	[tilespmem:$0x1E800] =	vst v63  }
0x54: {  	_ =	swait.ge [sflag:s19], $0x1400  }
0x55: {  	[sflag:s19] =	ssyncset.done $0x0  }
0x56: {  	[sflag:s19] =	ssyncadd.s32 $0xFFFFEC00  }
0x57: {  	[spmem:s13] =	stream.linear.scatter [tilespmem:s18], [sflag:$0x3], $0x1400, $0x38;
	[tilespmem:$0x1E800] =	vst v63  }
0x58: {  	_ =	swait.ge [sflag:s19], $0x1400  }
0x59: {  	[sflag:s19] =	ssyncset.done $0x0  }
0x5a: {  	[sflag:s19] =	ssyncadd.s32 $0xFFFFEC00  }
0x5b: {  	[spmem:s14] =	stream.linear.scatter [tilespmem:s18], [sflag:$0x3], $0x1400, $0x38;
	[tilespmem:$0x1E800] =	vst v63  }
0x5c: {  	_ =	swait.ge [sflag:s19], $0x1400  }
0x5d: {  	[sflag:s19] =	ssyncset.done $0x0  }
0x5e: {  	s31 =	simm.s32 $0x0;
	v5 =	vimm.s32 $0x0;
	s0 =	simm.s32 $0x0;
	[sflag:s19] =	ssyncadd.s32 $0xFFFFEC00  }
.LBB2_4:
0x5f: {  	s3 =	sshll.u32 s0, $0x8  }
0x60: {  	s8 =	sshll.u32 s0, $0x4;
	s3 =	sand.u32 $0x800, s3  }
0x61: {  	s8 =	sand.u32 $0x70, s8;
	s3 =	sor.u32 s15, s3  }
0x62: {  	s3 =	sor.u32 s8, s3  }
0x63: {  	s8 =	sadd.s32 s5, s3  }
0x64: {  	[tilespmem:s31], [sflag:$0x3] =	stream.strided.gather [hbm4b:s8+s20], $0x800, s21, s20, $0x38;
	[tilespmem:$0x1E800] =	vst v63  }
0x65: {  	_ =	swait.ge [sflag:s19], $0x800  }
0x66: {  	[sflag:s19] =	ssyncset.done $0x0  }
0x67: {  	s3 =	sadd.s32 s6, s3;
	[sflag:s19] =	ssyncadd.s32 $0xFFFFF800  }
0x68: {  	[tilespmem:s22], [sflag:$0x3] =	stream.strided.gather [hbm4b:s3+s20], $0x800, s21, s20, $0x38;
	[tilespmem:$0x1E800] =	vst v63  }
0x69: {  	_ =	swait.ge [sflag:s19], $0x800  }
0x6a: {  	[sflag:s19] =	ssyncset.done $0x0  }
0x6b: {  	s9 =	simm.s32 $0x0;
	[sflag:s19] =	ssyncadd.s32 $0xFFFFF800  }
0x6c: {  	v6 =	vld [tilespmem:s9+$0x800];
	_ =	sdelay $0x1  }
0x6d: {  	v7 =	vld [tilespmem:s9+$0x810];
	_ =	sdelay $0x1  }
0x6e: {  	v8 =	vld [tilespmem:s9+$0x820]  }
0x6f: {  	v9 =	vsub.s32 v6, v0  }
0x70: {  	v6 =	vld [tilespmem:s9+$0x830];
	vm1 =	vlt.u32 v9, $0x1400  }
0x71: {  	v10 =	vsub.s32 v7, v0;
	v7 =	vsel vm1, $0x1, v3  }
0x72: {  	vm2 =	vlt.u32 v10, $0x1400;
	(xrf0) =	vadd.scan.msk.s32 $0xffff, v7  }
0x73: {  	v8 =	vsub.s32 v8, v0;
	v7 =	vsel vm2, $0x1, v3  }
0x74: {  	vm3 =	vlt.u32 v8, $0x1400;
	(xrf0) =	vadd.scan.msk.s32 $0xffff, v7  }
0x75: {  	v7 =	vsel vm3, $0x1, v3;
	v6 =	vsub.s32 v6, v0  }
0x76: {  	(xrf0) =	vadd.scan.msk.s32 $0xffff, v7;
	vm0 =	vlt.u32 v6, $0x1400  }
0x77: {  	v11 =	vmpcnt.ones.xlane vm1;
	v7 =	vsel vm1, $0xFFFFFFFF, v3;
	v12 =	vsel vm0, $0x1, v3  }
0x78: {  	v13 =	vsel vm2, $0xFFFFFFFF, v3;
	v7 =	vadd.s32 v7, v5;
	v14, _, _ =	vpop (xrf0);
	(xrf0) =	vadd.scan.msk.s32 $0xffff, v12  }
0x79: {  	v56 =	vld [tilespmem:s9+$0x0];
	v55 =	vmpcnt.ones.xlane vm2;
	v5 =	vadd.s32 v5, v11;
	v7 =	vadd.s32 v14, v7  }
0x7a: {  	v57 =	vsel vm3, $0xFFFFFFFF, v3;
	v13 =	vadd.s32 v13, v5;
	v15, _, _ =	vpop (xrf0)  }
0x7b: {  	v16 =	vld [tilespmem:s9+$0x10];
	v58 =	vmpcnt.ones.xlane vm3;
	v5 =	vadd.s32 v55, v5;
	v13 =	vadd.s32 v15, v13  }
0x7c: {  	v14 =	vadd.s32 v57, v5;
	v17, _, _ =	vpop (xrf0)  }
0x7d: {  	v60 =	vld [tilespmem:s9+$0x20];
	v18 =	vsel vm0, $0xFFFFFFFF, v3;
	v5 =	vadd.s32 v58, v5;
	v14 =	vadd.s32 v17, v14  }
0x7e: {  	v59 =	vld [tilespmem:s9+$0x30];
	v61 =	vadd.s32 v18, v5;
	[tilespmem:v7+s23+$0x0] =	vst.idx.msk vm1, v56;
	v62, _, _ =	vpop (xrf0)  }
0x7f: {  	[tilespmem:v7+s24+$0x0] =	vst.idx.msk vm1, v9;
	v7 =	vadd.s32 v62, v61  }
0x80: {  	[tilespmem:v13+s23+$0x0] =	vst.idx.msk vm2, v16  }
0x81: {  	[tilespmem:v13+s24+$0x0] =	vst.idx.msk vm2, v10  }
0x82: {  	v63 =	vmpcnt.ones.xlane vm0;
	[tilespmem:v14+s23+$0x0] =	vst.idx.msk vm3, v60  }
0x83: {  	[tilespmem:v14+s24+$0x0] =	vst.idx.msk vm3, v8  }
0x84: {  	s8 =	simm.s32 $0x200;
	s3 =	simm.s32 $0x100;
	v5 =	vadd.s32 v63, v5;
	[tilespmem:v7+s23+$0x0] =	vst.idx.msk vm0, v59  }
.LBB2_5:
0x85: {  	p0 =	sne.s32 s8, $0x1E00  }
0x86: {  	s9 =	sshra.s32 s3, $0x2;
	[tilespmem:v7+s24+$0x0] =	vst.idx.msk vm0, v6;
	s3 =	smov.u32 s8;
	s8 =	sadd.s32 $0x100, s8  }
0x87: {  	v6 =	vld [tilespmem:s9+$0x800];
	_ =	sdelay $0x1  }
0x88: {  	v7 =	vld [tilespmem:s9+$0x810];
	_ =	sdelay $0x1  }
0x89: {  	v8 =	vld [tilespmem:s9+$0x820]  }
0x8a: {  	v9 =	vsub.s32 v6, v0  }
0x8b: {  	v6 =	vld [tilespmem:s9+$0x830];
	vm1 =	vlt.u32 v9, $0x1400  }
0x8c: {  	v10 =	vsub.s32 v7, v0;
	v7 =	vsel vm1, $0xFFFFFFFF, v3;
	v11 =	vsel vm1, $0x1, v3  }
0x8d: {  	v12 =	vmpcnt.ones.xlane vm1;
	vm2 =	vlt.u32 v10, $0x1400;
	(xrf0) =	vadd.scan.msk.s32 $0xffff, v11  }
0x8e: {  	v8 =	vsub.s32 v8, v0;
	v11 =	vsel vm2, $0xFFFFFFFF, v3;
	v13 =	vsel vm2, $0x1, v3  }
0x8f: {  	v14 =	vmpcnt.ones.xlane vm2;
	v12 =	vadd.s32 v5, v12;
	vm3 =	vlt.u32 v8, $0x1400;
	(xrf0) =	vadd.scan.msk.s32 $0xffff, v13  }
0x90: {  	v11 =	vadd.s32 v11, v12;
	v6 =	vsub.s32 v6, v0;
	v13 =	vsel vm3, $0x1, v3  }
0x91: {  	v15 =	vsel vm3, $0xFFFFFFFF, v3;
	v12 =	vadd.s32 v14, v12;
	vm0 =	vlt.u32 v6, $0x1400;
	(xrf0) =	vadd.scan.msk.s32 $0xffff, v13  }
0x92: {  	v18 =	vmpcnt.ones.xlane vm3;
	v15 =	vadd.s32 v15, v12;
	v13 =	vsel vm0, $0x1, v3  }
0x93: {  	v5 =	vadd.s32 v7, v5;
	v16 =	vsel vm0, $0xFFFFFFFF, v3;
	v17 =	vmpcnt.ones.xlane vm0;
	v7, _, _ =	vpop (xrf0);
	(xrf0) =	vadd.scan.msk.s32 $0xffff, v13  }
0x94: {  	v13 =	vld [tilespmem:s9+$0x0];
	v7 =	vadd.s32 v7, v5;
	v5 =	vadd.s32 v18, v12  }
0x95: {  	v12 =	vadd.s32 v16, v5;
	v5 =	vadd.s32 v17, v5;
	v14, _, _ =	vpop (xrf0)  }
0x96: {  	v16 =	vld [tilespmem:s9+$0x10];
	v11 =	vadd.s32 v14, v11  }
0x97: {  	v14 =	vld [tilespmem:s9+$0x30];
	v17, _, _ =	vpop (xrf0)  }
0x98: {  	v18 =	vld [tilespmem:s9+$0x20];
	v15 =	vadd.s32 v17, v15  }
0x99: {  	[tilespmem:v7+s23+$0x0] =	vst.idx.msk vm1, v13;
	v13, _, _ =	vpop (xrf0)  }
0x9a: {  	[tilespmem:v7+s24+$0x0] =	vst.idx.msk vm1, v9;
	v7 =	vadd.s32 v13, v12  }
.Ltmp3:
0x9b: {  	[tilespmem:v11+s23+$0x0] =	vst.idx.msk vm2, v16;
	(pc) =	sbr.rel @p0 .LBB2_5-.Ltmp3, $4  }
0x9c: {  	[tilespmem:v11+s24+$0x0] =	vst.idx.msk vm2, v10  }
0x9d: {  	[tilespmem:v15+s23+$0x0] =	vst.idx.msk vm3, v18  }
0x9e: {  	[tilespmem:v15+s24+$0x0] =	vst.idx.msk vm3, v8  }
0x9f: {  	[tilespmem:v7+s23+$0x0] =	vst.idx.msk vm0, v14  }
0xa0: {  	_ =	sdelay $0x4  }
0xa1: {  	s3 =	sshra.s32 s3, $0x2;
	[tilespmem:v7+s24+$0x0] =	vst.idx.msk vm0, v6  }
0xa2: {  	v6 =	vld [tilespmem:s3+$0x800];
	_ =	sdelay $0x1  }
0xa3: {  	v7 =	vld [tilespmem:s3+$0x810];
	_ =	sdelay $0x1  }
0xa4: {  	v8 =	vld [tilespmem:s3+$0x820]  }
0xa5: {  	v6 =	vsub.s32 v6, v0  }
0xa6: {  	v9 =	vld [tilespmem:s3+$0x830];
	vm1 =	vlt.u32 v6, $0x1400  }
0xa7: {  	v7 =	vsub.s32 v7, v0;
	v10 =	vsel vm1, $0x1, v3  }
0xa8: {  	vm2 =	vlt.u32 v7, $0x1400;
	(xrf0) =	vadd.scan.msk.s32 $0xffff, v10  }
0xa9: {  	v8 =	vsub.s32 v8, v0;
	v51 =	vsel vm2, $0x1, v3  }
0xaa: {  	vm3 =	vlt.u32 v8, $0x1400;
	(xrf0) =	vadd.scan.msk.s32 $0xffff, v51  }
0xab: {  	v9 =	vsub.s32 v9, v0;
	v52 =	vsel vm3, $0x1, v3  }
0xac: {  	vm14 =	vlt.u32 v9, $0x1400;
	(xrf0) =	vadd.scan.msk.s32 $0xffff, v52  }
0xad: {  	v53 =	vsel vm1, $0xFFFFFFFF, v3;
	v11 =	vmpcnt.ones.xlane vm1;
	v12 =	vsel vm14, $0x1, v3  }
0xae: {  	v13 =	vsel vm2, $0xFFFFFFFF, v3;
	v10 =	vadd.s32 v53, v5;
	v14, _, _ =	vpop (xrf0);
	(xrf0) =	vadd.scan.msk.s32 $0xffff, v12  }
0xaf: {  	v55 =	vld [tilespmem:s3+$0x0];
	v54 =	vmpcnt.ones.xlane vm2;
	v5 =	vadd.s32 v5, v11;
	v10 =	vadd.s32 v14, v10  }
0xb0: {  	v56 =	vsel vm3, $0xFFFFFFFF, v3;
	v13 =	vadd.s32 v13, v5;
	v15, _, _ =	vpop (xrf0)  }
0xb1: {  	v16 =	vld [tilespmem:s3+$0x10];
	v57 =	vmpcnt.ones.xlane vm3;
	v5 =	vadd.s32 v54, v5;
	v13 =	vadd.s32 v15, v13  }
0xb2: {  	v14 =	vadd.s32 v56, v5;
	v17, _, _ =	vpop (xrf0)  }
0xb3: {  	v59 =	vld [tilespmem:s3+$0x20];
	v18 =	vsel vm14, $0xFFFFFFFF, v3;
	v5 =	vadd.s32 v57, v5;
	v14 =	vadd.s32 v17, v14  }
0xb4: {  	v58 =	vld [tilespmem:s3+$0x30];
	v60 =	vadd.s32 v18, v5;
	[tilespmem:v10+s23+$0x0] =	vst.idx.msk vm1, v55;
	v61, _, _ =	vpop (xrf0)  }
0xb5: {  	[tilespmem:v10+s24+$0x0] =	vst.idx.msk vm1, v6;
	v6 =	vadd.s32 v61, v60  }
0xb6: {  	[tilespmem:v13+s23+$0x0] =	vst.idx.msk vm2, v16  }
0xb7: {  	[tilespmem:v13+s24+$0x0] =	vst.idx.msk vm2, v7  }
0xb8: {  	[tilespmem:v14+s23+$0x0] =	vst.idx.msk vm3, v59  }
0xb9: {  	[tilespmem:v14+s24+$0x0] =	vst.idx.msk vm3, v8  }
0xba: {  	[tilespmem:v6+s23+$0x0] =	vst.idx.msk vm14, v58  }
0xbb: {  	[tilespmem:v6+s24+$0x0] =	vst.idx.msk vm14, v9  }
0xbc: {  	v6 =	vld [tilespmem:$0xFC0];
	_ =	sdelay $0x4  }
0xbd: {  	v6 =	vsub.s32 v6, v0  }
0xbe: {  	vm15 =	vlt.u32 v6, $0x1400  }
0xbf: {  	v7 =	vsel vm15, $0x1, v3  }
0xc0: {  	(xrf0) =	vadd.scan.msk.s32 $0xffff, v7;
	_ =	sdelay $0x2  }
0xc1: {  	v7 =	vmpcnt.ones.xlane vm14;
	_ =	sdelay $0x1  }
0xc2: {  	v5 =	vadd.s32 v7, v5;
	v7 =	vsel vm15, $0xFFFFFFFF, v3  }
0xc3: {  	v7 =	vadd.s32 v7, v5;
	v62, _, _ =	vpop (xrf0)  }
0xc4: {  	s0 =	sadd.s32 $0x1, s0;
	v9 =	vld [tilespmem:$0x7C0];
	v7 =	vadd.s32 v62, v7  }
0xc5: {  	p0 =	sne.s32 s0, $0xA  }
.Ltmp4:
0xc6: {  	_ = 	snop;
	(pc) =	sbr.rel @p0 .LBB2_4-.Ltmp4, $4  }
0xc7: {  	_ = 	snop  }
0xc8: {  	v63 =	vmpcnt.ones.xlane vm15  }
0xc9: {  	[tilespmem:v7+s23+$0x0] =	vst.idx.msk vm15, v9  }
0xca: {  	v5 =	vadd.s32 v5, v63;
	[tilespmem:v7+s24+$0x0] =	vst.idx.msk vm15, v6  }
0xcb: {  	(v2sf) =	vpush v5, $0x0;
	_ =	sdelay $0xc  }
0xcc: {  	v5 =	vbroadcast v5, $0x0;
	_ =	sdelay $0x1  }
0xcd: {  	v5 =	vadd.s32 v1, v5;
	s31 =	spop (v2sf)  }
0xce: {  	s0 =	sadd.s32 $0x10, s31  }
0xcf: {  	v6 =	vadd.s32 s0, v1  }
0xd0: {  	s3 =	sadd.s32 $0x20, s31  }
0xd1: {  	v7 =	vadd.s32 s3, v1  }
0xd2: {  	[tilespmem:v5+s23+$0x0] =	vst.idx.msk $0xffff, v1;
	s0 =	simm.s32 $0x6000;
	s3 =	sadd.s32 $0x30, s31  }
0xd3: {  	[tilespmem:v5+s0+$0x0] =	vst.idx.msk $0xffff, v4;
	v5 =	vadd.s32 s3, v1  }
0xd4: {  	s8 =	sadd.s32 $0x40, s31;
	[tilespmem:v6+s23+$0x0] =	vst.idx.msk $0xffff, v1  }
0xd5: {  	[tilespmem:v6+s0+$0x0] =	vst.idx.msk $0xffff, v4;
	v6 =	vadd.s32 s8, v1  }
0xd6: {  	s9 =	sadd.s32 $0x50, s31;
	[tilespmem:v7+s23+$0x0] =	vst.idx.msk $0xffff, v1  }
0xd7: {  	[tilespmem:v7+s0+$0x0] =	vst.idx.msk $0xffff, v4;
	v7 =	vadd.s32 s9, v1  }
0xd8: {  	s8 =	sadd.s32 $0x60, s31;
	[tilespmem:v5+s23+$0x0] =	vst.idx.msk $0xffff, v1  }
0xd9: {  	[tilespmem:v5+s0+$0x0] =	vst.idx.msk $0xffff, v4;
	v5 =	vadd.s32 s8, v1  }
0xda: {  	s9 =	sadd.s32 $0x70, s31;
	[tilespmem:v6+s23+$0x0] =	vst.idx.msk $0xffff, v1  }
0xdb: {  	[tilespmem:v6+s0+$0x0] =	vst.idx.msk $0xffff, v4;
	v6 =	vadd.s32 s9, v1  }
0xdc: {  	s8 =	sadd.s32 $0x80, s31;
	[tilespmem:v7+s23+$0x0] =	vst.idx.msk $0xffff, v1  }
0xdd: {  	[tilespmem:v7+s0+$0x0] =	vst.idx.msk $0xffff, v4;
	v7 =	vadd.s32 s8, v1  }
0xde: {  	s9 =	sadd.s32 $0x90, s31;
	[tilespmem:v5+s23+$0x0] =	vst.idx.msk $0xffff, v1  }
0xdf: {  	[tilespmem:v5+s0+$0x0] =	vst.idx.msk $0xffff, v4;
	v5 =	vadd.s32 s9, v1  }
0xe0: {  	s8 =	sadd.s32 $0xA0, s31;
	[tilespmem:v6+s23+$0x0] =	vst.idx.msk $0xffff, v1  }
0xe1: {  	[tilespmem:v6+s0+$0x0] =	vst.idx.msk $0xffff, v4;
	v6 =	vadd.s32 s8, v1  }
0xe2: {  	s9 =	sadd.s32 $0xB0, s31;
	[tilespmem:v7+s23+$0x0] =	vst.idx.msk $0xffff, v1  }
0xe3: {  	[tilespmem:v7+s0+$0x0] =	vst.idx.msk $0xffff, v4;
	v7 =	vadd.s32 s9, v1  }
0xe4: {  	s8 =	sadd.s32 $0xC0, s31;
	[tilespmem:v5+s23+$0x0] =	vst.idx.msk $0xffff, v1  }
0xe5: {  	[tilespmem:v5+s0+$0x0] =	vst.idx.msk $0xffff, v4;
	v5 =	vadd.s32 s8, v1  }
0xe6: {  	s9 =	sadd.s32 $0xD0, s31;
	[tilespmem:v6+s23+$0x0] =	vst.idx.msk $0xffff, v1  }
0xe7: {  	[tilespmem:v6+s0+$0x0] =	vst.idx.msk $0xffff, v4;
	v6 =	vadd.s32 s9, v1  }
0xe8: {  	s8 =	sadd.s32 $0xE0, s31;
	[tilespmem:v7+s23+$0x0] =	vst.idx.msk $0xffff, v1  }
0xe9: {  	[tilespmem:v7+s0+$0x0] =	vst.idx.msk $0xffff, v4;
	v7 =	vadd.s32 s8, v1  }
0xea: {  	s9 =	sadd.s32 $0xF0, s31;
	[tilespmem:v5+s23+$0x0] =	vst.idx.msk $0xffff, v1  }
0xeb: {  	[tilespmem:v5+s0+$0x0] =	vst.idx.msk $0xffff, v4;
	v5 =	vadd.s32 s9, v1  }
0xec: {  	s8 =	sadd.s32 $0x100, s31;
	[tilespmem:v6+s23+$0x0] =	vst.idx.msk $0xffff, v1  }
0xed: {  	[tilespmem:v6+s0+$0x0] =	vst.idx.msk $0xffff, v4;
	v6 =	vadd.s32 s8, v1  }
0xee: {  	s9 =	sadd.s32 $0x110, s31;
	[tilespmem:v7+s23+$0x0] =	vst.idx.msk $0xffff, v1  }
0xef: {  	[tilespmem:v7+s0+$0x0] =	vst.idx.msk $0xffff, v4;
	v7 =	vadd.s32 s9, v1  }
0xf0: {  	s8 =	sadd.s32 $0x120, s31;
	[tilespmem:v5+s23+$0x0] =	vst.idx.msk $0xffff, v1  }
0xf1: {  	[tilespmem:v5+s0+$0x0] =	vst.idx.msk $0xffff, v4;
	v5 =	vadd.s32 s8, v1  }
0xf2: {  	[tilespmem:v6+s23+$0x0] =	vst.idx.msk $0xffff, v1  }
0xf3: {  	s9 =	sadd.s32 $0x130, s31;
	[tilespmem:v6+s0+$0x0] =	vst.idx.msk $0xffff, v4  }
0xf4: {  	v6 =	vadd.s32 s9, v1;
	[tilespmem:v7+s23+$0x0] =	vst.idx.msk $0xffff, v1  }
0xf5: {  	s8 =	sadd.s32 $0x140, s31;
	[tilespmem:v7+s0+$0x0] =	vst.idx.msk $0xffff, v4  }
0xf6: {  	s9 =	sadd.s32 $0x150, s31;
	v7 =	vadd.s32 s8, v1;
	s8 =	sadd.s32 $0x7F, s31;
	[tilespmem:v5+s23+$0x0] =	vst.idx.msk $0xffff, v1  }
0xf7: {  	[tilespmem:v5+s0+$0x0] =	vst.idx.msk $0xffff, v4;
	v5 =	vadd.s32 s9, v1;
	s9 =	sand.u32 $0x7F, s8  }
0xf8: {  	p1 =	slt.s32 s8, $0x1;
	p0 =	sne.s32 s9, $0x0;
	s9 =	sshra.s32 s8, $0x1F  }
0xf9: {  	s3 =	sadd.s32 $0x160, s31;
	[tilespmem:v6+s23+$0x0] =	vst.idx.msk $0xffff, v1;
	s9 =	sshrl.u32 s9, $0x19;
	p0 =	por !p1, !p0  }
0xfa: {  	[tilespmem:v6+s0+$0x0] =	vst.idx.msk $0xffff, v4;
	s8 =	sadd.s32 s9, s8;
	p0 =	por !p0, !p0;
	s9 =	simm.s32 $0x1  }
0xfb: {  	v6 =	vadd.s32 s3, v1;
	s3 =	sadd.s32 $0x170, s31;
	[tilespmem:v7+s23+$0x0] =	vst.idx.msk $0xffff, v1;
	s8 =	sshra.s32 s8, $0x7;
	s9 =	simm.s32 @!p0 $0x0  }
0xfc: {  	v8 =	vadd.s32 s3, v1;
	[tilespmem:v7+s0+$0x0] =	vst.idx.msk $0xffff, v4;
	s3 =	ssub.s32 s8, s9  }
0xfd: {  	s31 =	sadd.s32 $0x180, s31;
	[tilespmem:v5+s23+$0x0] =	vst.idx.msk $0xffff, v1;
	s8 =	sadd.s32 $0x1, s3  }
0xfe: {  	[tilespmem:v5+s0+$0x0] =	vst.idx.msk $0xffff, v4;
	v5 =	vadd.s32 s31, v1;
	s31 =	sand.u32 $0x1, s8  }
0xff: {  	p5 =	slt.s32 s3, $0x0;
	p6 =	seq.s32 s31, $0x1  }
0x100: {  	s31 =	sshrl.u32 s8, $0x1F;
	p0 =	por !p5, !p6  }
0x101: {  	s3 =	sadd.s32 s31, s8;
	s8 =	simm.s32 $0x1;
	p0 =	por !p0, !p0  }
0x102: {  	s3 =	sshra.s32 s3, $0x1;
	s8 =	simm.s32 @!p0 $0x0  }
0x103: {  	[tilespmem:v6+s23+$0x0] =	vst.idx.msk $0xffff, v1;
	s8 =	ssub.s32 s3, s8  }
0x104: {  	[tilespmem:v6+s0+$0x0] =	vst.idx.msk $0xffff, v4;
	p0 =	slt.s32 s8, $0x1  }
.Ltmp5:
0x105: {  	[tilespmem:v8+s23+$0x0] =	vst.idx.msk $0xffff, v1;
	(pc) =	sbr.rel @p0 .LBB2_14-.Ltmp5, $4  }
0x106: {  	[tilespmem:v8+s0+$0x0] =	vst.idx.msk $0xffff, v4  }
0x107: {  	[tilespmem:v5+s23+$0x0] =	vst.idx.msk $0xffff, v1  }
0x108: {  	[tilespmem:v5+s0+$0x0] =	vst.idx.msk $0xffff, v4;
	s3 =	simm.s32 $0x1100  }
0x109: {  	[tilespmem:s28], [sflag:$0x1] =	stream.indirect.gather [hbm4b:s1+s20], $0x80, s23, s20, $0xb8;
	[tilespmem:$0x1E800] =	vst v63  }
0x10a: {  	p1 =	sne.s32 s8, $0x1  }
.Ltmp6:
0x10b: {  	_ = 	snop;
	(pc) =	sbr.rel @!p1 .LBB2_9-.Ltmp6, $2  }
0x10c: {  	_ =	sdelay $0x2  }
0x10d: {  	s8 =	sadd.s32 $0xFFFFFFFF, s8;
	p0 =	por $0x0, $0x0  }
0x10e: {  	s9 =	sadd.s32 $0xFFFFFF80, s3  }
0x10f: {  	[tilespmem:s29], [sflag:$0x2] =	stream.indirect.gather [hbm4b:s1+s20], $0x80, s9, s20, $0xb8;
	[tilespmem:$0x1E800] =	vst v63  }
0x110: {  	_ =	swait.ge [sflag:s26], $0x4000  }
0x111: {  	[sflag:s26] =	ssyncset.done $0x0  }
0x112: {  	[sflag:s26] =	ssyncadd.s32 $0xFFFFC000  }
0x113: {  	[spmem:s2] =	stream.indirect.scatter.add.f32 [tilespmem:s28], [sflag:$0x3], $0x80, s0, s20, $0xb8;
	[tilespmem:$0x1E800] =	vst v63  }
0x114: {  	_ =	swait.ge [sflag:s19], $0x4000  }
0x115: {  	[sflag:s19] =	ssyncset.done $0x0  }
0x116: {  	[sflag:s19] =	ssyncadd.s32 $0xFFFFC000  }
0x117: {  	[tilespmem:s28], [sflag:$0x1] =	stream.indirect.gather [hbm4b:s1+s20], $0x80, s3, s20, $0xb8;
	[tilespmem:$0x1E800] =	vst v63  }
0x118: {  	p1 =	sne.s32 s8, $0x1;
	_ =	swait.ge [sflag:s30], $0x4000  }
.Ltmp7:
0x119: {  	[sflag:s30] =	ssyncset.done $0x0;
	(pc) =	sbr.rel @!p1 .LBB2_11-.Ltmp7, $4  }
0x11a: {  	s31 =	sadd.s32 $0x80, s0;
	[sflag:s30] =	ssyncadd.s32 $0xFFFFC000  }
0x11b: {  	[spmem:s2] =	stream.indirect.scatter.add.f32 [tilespmem:s29], [sflag:$0x3], $0x80, s31, s20, $0xb8;
	[tilespmem:$0x1E800] =	vst v63  }
0x11c: {  	p0 =	por $0x1, $0x1;
	s9 =	sadd.s32 $0xFFFFFFFF, s8;
	_ =	swait.ge [sflag:s19], $0x4000  }
0x11d: {  	s8 =	simm.s32 $0x6000;
	s3 =	sadd.s32 $0x100, s3;
	[sflag:s19] =	ssyncset.done $0x0  }
.LBB2_12:
0x11e: {  	s31 =	sadd.s32 $0xFFFFFF80, s3;
	[sflag:s19] =	ssyncadd.s32 $0xFFFFC000;
	s8 =	sadd.s32 $0x100, s8  }
0x11f: {  	[tilespmem:s29], [sflag:$0x2] =	stream.indirect.gather [hbm4b:s1+s20], $0x80, s31, s20, $0xb8;
	[tilespmem:$0x1E800] =	vst v63  }
0x120: {  	p1 =	sne.s32 s9, $0x1;
	s9 =	sadd.s32 $0xFFFFFFFF, s9;
	_ =	swait.ge [sflag:s26], $0x4000  }
0x121: {  	[sflag:s26] =	ssyncset.done $0x0  }
0x122: {  	[sflag:s26] =	ssyncadd.s32 $0xFFFFC000  }
0x123: {  	[spmem:s2] =	stream.indirect.scatter.add.f32 [tilespmem:s28], [sflag:$0x3], $0x80, s8, s20, $0xb8;
	[tilespmem:$0x1E800] =	vst v63  }
0x124: {  	_ =	swait.ge [sflag:s19], $0x4000  }
0x125: {  	[sflag:s19] =	ssyncset.done $0x0  }
0x126: {  	[sflag:s19] =	ssyncadd.s32 $0xFFFFC000  }
0x127: {  	[tilespmem:s28], [sflag:$0x1] =	stream.indirect.gather [hbm4b:s1+s20], $0x80, s3, s20, $0xb8;
	[tilespmem:$0x1E800] =	vst v63  }
0x128: {  	_ =	swait.ge [sflag:s30], $0x4000  }
.Ltmp8:
0x129: {  	[sflag:s30] =	ssyncset.done $0x0;
	(pc) =	sbr.rel @p1 .LBB2_12-.Ltmp8, $4  }
0x12a: {  	s31 =	sadd.s32 $0x80, s8;
	[sflag:s30] =	ssyncadd.s32 $0xFFFFC000  }
0x12b: {  	[spmem:s2] =	stream.indirect.scatter.add.f32 [tilespmem:s29], [sflag:$0x3], $0x80, s31, s20, $0xb8;
	[tilespmem:$0x1E800] =	vst v63  }
0x12c: {  	_ =	swait.ge [sflag:s19], $0x4000  }
0x12d: {  	s3 =	sadd.s32 $0x100, s3;
	[sflag:s19] =	ssyncset.done $0x0  }
.Ltmp9:
0x12e: {  	_ = 	snop;
	(pc) =	sbr.rel .LBB2_13-.Ltmp9, $1  }
0x12f: {  	_ =	sdelay $0x3  }
.LBB2_11:
.Ltmp10:
0x130: {  	(pc) =	sbr.rel .LBB2_13-.Ltmp10, $2  }
0x131: {  	_ =	sdelay $0x2  }
0x132: {  	s8 =	simm.s32 $0x6000  }
.LBB2_15:
0x133: {  	_ =	sfence.sel $0x180000  }
0x134: {  	[bflag:$0x0] =	sbarrier.arrive $0xFFFF  }
0x135: {  	_ =	strace $0x9000004A  }
0x136: {  	s0 =	stileid.u32;
	[bflag:$0x2] =	sbarrier.arrive $0xFFFF  }
0x137: {  	p0 =	sne.s32 s0, $0x0;
	s0 =	rddreg [dreg:$0x3]  }
0x138: {  	s0 =	sadd.s32 @!p0 $0x100000, s0  }
0x139: {  	[sflag:s0] =	ssyncadd.tile.s32 @!p0 $0x1;
	_ =	shalt  }
.Lfunc_end2:
_tile_overlayer_lowered:
.L_overlay_start_2:
0x13a: {  	(tag) =	ssettag $0x2  }
0x13b: {  	s0 =	rddreg [dreg:$0x0];
	s2 =	stileid.u32  }
0x13c: {  	s1 =	rddreg [dreg:$0x1];
	p0 =	sne.s32 s2, $0x0  }
0x13d: {  	s3 =	rddreg [dreg:$0x2];
	[bflag:$0x3] =	sbarrier.arrive $0xFFFF;
	s2 =	simm.s32 @!p0 $0x1C03  }
0x13e: {  	[timem:s3], [sflag:s2] =	dma.local @!p0 [hbm:s0], s1  }
0x13f: {  	s0 =	simm.s32 @!p0 $0x3  }
0x140: {  	_ =	swait.ge @!p0 [sflag:s0], s1  }
0x141: {  	s1 =	ssub.s32 @!p0 $0x0, s1;
	[sflag:s0] =	ssyncset.done @!p0 $0x0  }
0x142: {  	[sflag:s0] =	ssyncadd.s32 @!p0 s1  }
0x143: {  	[bflag:$0x3] =	sbarrier.arrive $0xFFFF  }
0x144: {  	_ =	shalt  }

// kernel: kernel.7.cloned.1.call-start
scs
__scs_entry_jumppad:
0x0: {  	(pc) =	sbr.rel $0x88, $3  }
0x1: {  	(tag) =	ssettag $0x0;
	lr =	simm.s32 $0x1  }
0x2: {  	[smem:$0x3F9D] =	sst lr;
	_ =	strace $0xD0000000  }
0x3: {  	_ = 	snop  }
0x4: {  	_ = 	snop  }
0x5: {  	_ = 	snop  }
0x6: {  	_ = 	snop  }
0x7: {  	_ = 	snop  }
__scs_overlays_trampoline_lowered:
0x8: {  	[smem:$0x3FAC] =	sst s0  }
0x9: {  	[smem:$0x3FAD] =	sst s1  }
0xa: {  	[smem:$0x3FAE] =	sst s2  }
0xb: {  	[smem:$0x3FAF] =	sst s3  }
0xc: {  	[smem:$0x3FB0] =	sst s4  }
0xd: {  	[smem:$0x3FB1] =	sst s5  }
0xe: {  	[smem:$0x3FB2] =	sst s6  }
0xf: {  	[smem:$0x3FB3] =	sst s7  }
0x10: {  	[smem:$0x3FB4] =	sst s8  }
0x11: {  	[smem:$0x3FB5] =	sst s9;
	s0 =	simm.s32 @!p0 $0x0  }
0x12: {  	s1 =	sld [smem:$0x3F9B];
	s0 =	simm.s32 @p0 $0x1  }
0x13: {  	[smem:$0x3FB6] =	sst s0;
	s0 =	simm.s32 @!p1 $0x0  }
0x14: {  	s2 =	sld [smem:$0x3F9A];
	s0 =	simm.s32 @p1 $0x1  }
0x15: {  	[smem:$0x3FB7] =	sst s0;
	s0 =	simm.s32 @!p2 $0x0  }
0x16: {  	s3 =	sld [smem:$0x3FDB];
	s0 =	simm.s32 @p2 $0x1  }
0x17: {  	s4 =	simm.s32 $0x1BF5;
	[smem:$0x3FB9] =	sst s0  }
0x18: {  	s0 =	sld [smem:$0x3F9C];
	_ =	swait.ge [sflag:s4], $0x0  }
0x19: {  	s7 =	sld [smem:$0x3F9D]  }
0x1a: {  	s8 =	sadd.s32 $0xFFFFE003, lr  }
0x1b: {  	s9 =	sadd.s32 $0xFFFFFEF7, lr;
	s5 =	simm.s32 $0xFFFFFFFF;
	p2 =	slt.u32 s8, $0xFFFFF086  }
0x1c: {  	p1 =	slt.u32 s9, $0xF7A;
	s5 =	simm.s32 @!p2 $0x0  }
0x1d: {  	s5 =	simm.s32 @p1 $0x1;
	p0 =	seq.s32 s7, s2  }
0x1e: {  	s7 =	smul.u32 @!p0 $0xF7A, s2;
	p2 =	seq.s32 @!p0 s5, $0x0  }
0x1f: {  	s9 =	smul.u32 $0xF7A, s1;
	s8 =	simm.s32 @!p0 $0x1BF5;
	p2 =	por !p2, p0  }
0x20: {  	[sflag:s8] =	ssyncset.s32 @!p0 $0xFFFFF086;
	s6 =	sadd.s32 @!p0 s3, s7;
	s7 =	simm.s32 @!p0 $0x108  }
0x21: {  	s3 =	sadd.s32 s3, s9;
	s6 =	sadd.s32 @!p0 $0x88, s6;
	s7 =	simm.s32 @p2 $0x1082  }
0x22: {  	[simem:s7], [sflag:s8] =	dma.local @!p0 [hbm:s6], $0xF7A  }
0x23: {  	s9 =	sor.u32 $0xD0000000, s2;
	s6 =	simm.s32 $0x108;
	_ =	swait.ge @!p0 [sflag:s8], $0x0  }
0x24: {  	s3 =	sadd.s32 $0x88, s3;
	s6 =	simm.s32 @!p1 $0x1082;
	[sflag:s4] =	ssyncset.s32 $0xFFFFF086  }
0x25: {  	[simem:s6], [sflag:s4] =	dma.local [hbm:s3], $0xF7A  }
0x26: {  	[smem:$0x3F9D] =	sst s1;
	(tag) =	ssettag s2;
	_ =	strace s9  }
0x27: {  	s1 =	sld [smem:$0x3FAD]  }
0x28: {  	s2 =	sld [smem:$0x3FAE]  }
0x29: {  	s4 =	sld [smem:$0x3FB0]  }
0x2a: {  	p0 =	seq.s32 s5, $0x0;
	s5 =	sld [smem:$0x3FB1]  }
0x2b: {  	s6 =	sld [smem:$0x3FB2]  }
0x2c: {  	s7 =	sld [smem:$0x3FB3]  }
0x2d: {  	s3 =	simm.s32 $0x108;
	s8 =	sld [smem:$0x3FB4]  }
0x2e: {  	s3 =	simm.s32 @!p0 $0x1082;
	s9 =	sld [smem:$0x3FB5]  }
0x2f: {  	lr =	sadd.s32 s0, s3;
	s0 =	sld [smem:$0x3FAC]  }
0x30: {  	s3 =	sld [smem:$0x3FAF]  }
0x31: {  	[smem:$0x3FB8] =	sst s10  }
0x32: {  	s10 =	sld [smem:$0x3FB6];
	_ =	sdelay $0x3  }
0x33: {  	p0 =	seq.s32 s10, $0x1;
	s10 =	sld [smem:$0x3FB8];
	_ =	sdelay $0x3  }
0x34: {  	[smem:$0x3FB8] =	sst s10  }
0x35: {  	s10 =	sld [smem:$0x3FB7];
	_ =	sdelay $0x3  }
0x36: {  	p1 =	seq.s32 s10, $0x1;
	s10 =	sld [smem:$0x3FB8];
	_ =	sdelay $0x3  }
0x37: {  	[smem:$0x3FB8] =	sst s10  }
0x38: {  	s10 =	sld [smem:$0x3FB9]  }
0x39: {  	_ = 	snop;
	(pc) =	sbr.ind lr, $3  }
0x3a: {  	_ = 	snop  }
0x3b: {  	_ = 	snop  }
0x3c: {  	p2 =	seq.s32 s10, $0x1;
	s10 =	sld [smem:$0x3FB8]  }
0x3d: {  	_ =	shalt  }
0x3e: {  	_ =	shalt  }
0x3f: {  	_ =	shalt  }
0x40: {  	_ =	shalt  }
0x41: {  	_ =	shalt  }
0x42: {  	_ =	shalt  }
0x43: {  	_ =	shalt  }
0x44: {  	_ =	shalt  }
0x45: {  	_ =	shalt  }
0x46: {  	_ =	shalt  }
0x47: {  	_ =	shalt  }
0x48: {  	_ =	shalt  }
0x49: {  	_ =	shalt  }
0x4a: {  	_ =	shalt  }
0x4b: {  	_ =	shalt  }
0x4c: {  	_ =	shalt  }
0x4d: {  	_ =	shalt  }
0x4e: {  	_ =	shalt  }
0x4f: {  	_ =	shalt  }
0x50: {  	_ =	shalt  }
0x51: {  	_ =	shalt  }
0x52: {  	_ =	shalt  }
0x53: {  	_ =	shalt  }
0x54: {  	_ =	shalt  }
0x55: {  	_ =	shalt  }
0x56: {  	_ =	shalt  }
0x57: {  	_ =	shalt  }
0x58: {  	_ =	shalt  }
0x59: {  	_ =	shalt  }
0x5a: {  	_ =	shalt  }
0x5b: {  	_ =	shalt  }
0x5c: {  	_ =	shalt  }
0x5d: {  	_ =	shalt  }
0x5e: {  	_ =	shalt  }
0x5f: {  	_ =	shalt  }
0x60: {  	_ =	shalt  }
0x61: {  	_ =	shalt  }
0x62: {  	_ =	shalt  }
0x63: {  	_ =	shalt  }
0x64: {  	_ =	shalt  }
0x65: {  	_ =	shalt  }
0x66: {  	_ =	shalt  }
0x67: {  	_ =	shalt  }
0x68: {  	_ =	shalt  }
0x69: {  	_ =	shalt  }
0x6a: {  	_ =	shalt  }
0x6b: {  	_ =	shalt  }
0x6c: {  	_ =	shalt  }
0x6d: {  	_ =	shalt  }
0x6e: {  	_ =	shalt  }
0x6f: {  	_ =	shalt  }
0x70: {  	_ =	shalt  }
0x71: {  	_ =	shalt  }
0x72: {  	_ =	shalt  }
0x73: {  	_ =	shalt  }
0x74: {  	_ =	shalt  }
0x75: {  	_ =	shalt  }
0x76: {  	_ =	shalt  }
0x77: {  	_ =	shalt  }
0x78: {  	_ =	shalt  }
0x79: {  	_ =	shalt  }
0x7a: {  	_ =	shalt  }
0x7b: {  	_ =	shalt  }
0x7c: {  	_ =	shalt  }
0x7d: {  	_ =	shalt  }
0x7e: {  	_ =	shalt  }
0x7f: {  	_ =	shalt  }
0x80: {  	_ =	shalt  }
0x81: {  	_ =	shalt  }
0x82: {  	_ =	shalt  }
0x83: {  	_ =	shalt  }
0x84: {  	_ =	shalt  }
0x85: {  	_ =	shalt  }
0x86: {  	_ =	shalt  }
0x87: {  	_ =	shalt  }
.Lfunc_end0:
.L_simem_size_0:
called_computation_lowered:
.L_overlay_start_0:
0x88: {  	s2 =	sld [smem:$0x3FD9]  }
0x89: {  	s3 =	sld [smem:$0x3FFE];
	_ =	sdelay $0x1  }
0x8a: {  	s1 =	srdreg.scid  }
0x8b: {  	s0 =	sand.u32 $0x1, s1  }
0x8c: {  	s17 =	sshll.u32 s0, $0xA;
	s2 =	sadd.s32 s3, s2  }
0x8d: {  	s2 =	sadd.s32 s2, s17  }
0x8e: {  	[smem:$0x3FC4] =	sst s2  }
0x8f: {  	_ = 	snop  }
0x90: {  	s2 =	sld [smem:$0x3FD0];
	(tm) =	ssettm $0x1  }
0x91: {  	s18 =	sld [smem:$0x3FFB];
	_ =	sdelay $0x3  }
0x92: {  	_ =	strace s18  }
0x93: {  	s3 =	sld [smem:$0x3FFC];
	_ =	sdelay $0x3  }
0x94: {  	_ =	strace s3  }
0x95: {  	s3 =	sld [smem:$0x3FFD];
	_ =	sdelay $0x3  }
0x96: {  	_ =	strace s3  }
0x97: {  	_ =	strace $0x8FFFFFFF  }
0x98: {  	s19 =	sld [smem:$0x3FDB];
	_ =	sdelay $0x1  }
0x99: {  	s4 =	simm.s32 $_scs_section_size  }
0x9a: {  	s5 =	simm.s32 $_size__tile_overlayer_lowered;
	s6 =	simm.s32 $_tile_overlayer_lowered  }
0x9b: {  	s22 =	simm.s32 $0x1BFF;
	s21 =	sshll.u32 s6, $0x1;
	s3 =	sadd.s32 s4, s19  }
0x9c: {  	s7 =	simm.s32 $0x0;
	s20 =	sshll.u32 s5, $0x1;
	s5 =	sadd.s32 s21, s3  }
0x9d: {  	[timem:s7], [sflag:s22] =	dma.local [hbm:s5], s20  }
0x9e: {  	_ =	swait.ge [sflag:s22], s20  }
0x9f: {  	s4 =	ssub.s32 $0x0, s20;
	[sflag:s22] =	ssyncset.done $0x0  }
0xa0: {  	[sflag:s22] =	ssyncadd.s32 s4;
	_ =	sdelay $0x1  }
0xa1: {  	s23 =	simm.s32 $0x1B8B  }
0xa2: {  	_ =	swait.ge [sflag:s23], $0x1  }
0xa3: {  	[sflag:s23] =	ssyncset.done $0x0  }
0xa4: {  	s25 =	simm.s32 $0x1B8E;
	s24 =	sld [smem:$0x3FFE];
	[sflag:s23] =	ssyncadd.s32 $0xFFFFFFFF  }
0xa5: {  	s26 =	simm.s32 $execute0_lowered;
	[smem:$0x3FD2] =	sst s25  }
0xa6: {  	s5 =	sshll.u32 s26, $0x1;
	_ =	strace $0x80000046;
	[dreg:$0x1] =	wrdreg $0xFFFFFFFF  }
0xa7: {  	s28 =	simm.s32 $_size_execute0_lowered;
	s3 =	sadd.s32 s3, s5;
	[dreg:$0x0] =	wrdreg $0x0  }
0xa8: {  	s5 =	sshll.u32 s28, $0x1;
	[dreg:$0x2] =	wrdreg s3  }
0xa9: {  	[dreg:$0x3] =	wrdreg s5  }
0xaa: {  	[dreg:$0x4] =	wrdreg $0xC0  }
0xab: {  	_ =	task [dreg:s7], $0x5FFFF  }
0xac: {  	[dreg:$0x1] =	wrdreg $0xFFFFFFFF  }
0xad: {  	[dreg:$0x0] =	wrdreg $0x60  }
0xae: {  	[dreg:$0x2] =	wrdreg s2  }
0xaf: {  	[dreg:$0x3] =	wrdreg s24  }
0xb0: {  	[dreg:$0x4] =	wrdreg $0x43000  }
0xb1: {  	[dreg:$0x5] =	wrdreg $0x9  }
0xb2: {  	_ =	task.clear_ibuf [dreg:s7], $0x6FFFF;
	_ =	strace $0x90000046  }
0xb3: {  	s29 =	simm.s32 $0x9;
	_ =	strace $0x80000048  }
0xb4: {  	_ =	swait.ge [sflag:s29], $0x1  }
0xb5: {  	[sflag:s29] =	ssyncadd.s32 $0xFFFFFFFF  }
0xb6: {  	_ =	strace $0x90000048  }
0xb7: {  	_ =	sfence  }
0xb8: {  	s30 =	sld [smem:$0x0];
	_ =	sdelay $0x2  }
0xb9: {  	s31 =	sshll.u32 s1, $0xD;
	s1 =	sshrl.u32 s1, $0x2  }
0xba: {  	s3 =	sand.u32 $0x4000, s31;
	s1 =	sadd.s32 s1, s30  }
0xbb: {  	s0 =	sor.u32 s3, s0;
	s1 =	sshll.u32 s1, $0x11  }
0xbc: {  	s0 =	sor.u32 s1, s0  }
0xbd: {  	s0 =	sadd.s32 $0x8F2B, s0  }
0xbe: {  	[sflag:s0] =	ssyncadd.remote.s32 $0x1  }
0xbf: {  	_ =	sfence.sel $0xFFFF  }
0xc0: {  	[dreg:$0x0] =	wrdreg $0xFFFFFFFF;
	(pc) =	sbr.abs _section_cstart, $3  }
0xc1: {  	[dreg:$0x1] =	wrdreg $0xFFFFFFFF  }
0xc2: {  	_ =	task.clear_ibuf [dreg:s7], $0x2FFFF;
	_ =	strace $0x9FFFFFFF  }
0xc3: {  	(tm) =	ssettm $0x7FFFFFFF  }
tec
execute0_lowered:
.L_overlay_start_1:
0x0: {  	(tag) =	ssettag $0x1  }
0x1: {  	s4 =	rddreg [dreg:$0x0]  }
0x2: {  	s5 =	rddreg [dreg:$0x1]  }
0x3: {  	s2 =	rddreg [dreg:$0x2]  }
0x4: {  	s0 =	rddreg [dreg:$0x3];
	s6 =	srdreg.scid  }
0x5: {  	s1 =	stileid.u32;
	s3 =	simm.s32 $0x0;
	s11 =	simm.s32 $0x4000  }
0x6: {  	s12 =	simm.s32 $0x1;
	s15 =	simm.s32 $0x20;
	s16 =	simm.s32 $0x10  }
0x7: {  	s17 =	simm.s32 $0x0;
	s6 =	sand.u32 $0x1, s6;
	s7 =	smul.u32 $0x500, s1  }
0x8: {  	[smem:$0x7FF] =	sst s3;
	s10 =	smul.u32 $0xA00, s1;
	s30 =	sshll.u32 s1, $0xC  }
0x9: {  	s13 =	sshll.u32 s1, $0x6;
	s8 =	sshll.u32 s6, $0x7;
	_ =	strace $0x80000047  }
0xa: {  	s28 =	ssub.s32 $0x2, s6;
	s29 =	sshll.u32 s6, $0xB;
	s13 =	sor.u32 $0x1C02, s13  }
0xb: {  	s7 =	sor.u32 s8, s7;
	s9 =	sshrl.u32 s28, $0x1;
	s4 =	sadd.s32 s4, s29  }
0xc: {  	s31 =	sshrl.u32 s10, $0x2;
	s10 =	simm.s32 $0x50;
	s7 =	sshrl.u32 s7, $0x3  }
0xd: {  	s8 =	ssub.s32 s28, s9;
	s4 =	sadd.s32 s30, s4;
	s7 =	sadd.s32 s7, s5  }
0xe: {  	s9 =	simm.s32 $0x4080;
	s5 =	sadd.s32 s31, s2;
	s6 =	sadd.s32 $0x1400, s7  }
0xf: {  	v0 =	vimm.f32 $1.000000000e+00;
	v1 =	vimm.f32 $0.0e+00;
	s7 =	smax.u32 s8, $0x1;
	s8 =	simm.s32 $0x2;
	s14 =	sshrl.u32 s5, $0x3  }
.LBB2_1:
0x10: {  	[tilespmem:$0x4000] =	vst v0  }
0x11: {  	[tilespmem:$0x4010] =	vst v0  }
0x12: {  	[tilespmem:$0x4020] =	vst v0  }
0x13: {  	[tilespmem:$0x4030] =	vst v0  }
0x14: {  	[tilespmem:$0x4040] =	vst v0  }
0x15: {  	[tilespmem:$0x4080] =	vst v1  }
0x16: {  	[tilespmem:$0x4090] =	vst v1  }
0x17: {  	[tilespmem:$0x40A0] =	vst v1  }
0x18: {  	[tilespmem:$0x40B0] =	vst v1  }
0x19: {  	[tilespmem:$0x40C0] =	vst v1  }
0x1a: {  	[tilespmem:$0x40D0] =	vst v1  }
0x1b: {  	[tilespmem:$0x40E0] =	vst v1  }
0x1c: {  	[tilespmem:$0x40F0] =	vst v1  }
0x1d: {  	[tilespmem:$0x4100] =	vst v1  }
0x1e: {  	[tilespmem:$0x4110] =	vst v1  }
0x1f: {  	[tilespmem:$0x4120] =	vst v1  }
0x20: {  	[tilespmem:$0x4130] =	vst v1  }
0x21: {  	[tilespmem:$0x4140] =	vst v1  }
0x22: {  	[tilespmem:$0x4150] =	vst v1  }
0x23: {  	[tilespmem:$0x4160] =	vst v1  }
0x24: {  	[tilespmem:$0x4170] =	vst v1  }
0x25: {  	[tilespmem:$0x4180] =	vst v1  }
0x26: {  	[tilespmem:$0x4190] =	vst v1  }
0x27: {  	[tilespmem:$0x41A0] =	vst v1  }
0x28: {  	[tilespmem:$0x41B0] =	vst v1  }
0x29: {  	[tilespmem:$0x41C0] =	vst v1  }
0x2a: {  	[tilespmem:$0x41D0] =	vst v1  }
0x2b: {  	[tilespmem:$0x41E0] =	vst v1  }
0x2c: {  	[tilespmem:$0x41F0] =	vst v1  }
0x2d: {  	[tilespmem:$0x4200] =	vst v1  }
0x2e: {  	[tilespmem:$0x4210] =	vst v1  }
0x2f: {  	[tilespmem:$0x4220] =	vst v1  }
0x30: {  	[tilespmem:$0x4230] =	vst v1  }
0x31: {  	[tilespmem:$0x4240] =	vst v1  }
0x32: {  	[tilespmem:$0x4250] =	vst v1  }
0x33: {  	[tilespmem:$0x4260] =	vst v1  }
0x34: {  	[tilespmem:$0x4270] =	vst v1  }
0x35: {  	[tilespmem:$0x4280] =	vst v1  }
0x36: {  	[tilespmem:$0x4290] =	vst v1  }
0x37: {  	[tilespmem:$0x42A0] =	vst v1  }
0x38: {  	[tilespmem:$0x42B0] =	vst v1  }
0x39: {  	[tilespmem:$0x42C0] =	vst v1  }
0x3a: {  	[tilespmem:$0x42D0] =	vst v1  }
0x3b: {  	[tilespmem:$0x42E0] =	vst v1  }
0x3c: {  	[tilespmem:$0x42F0] =	vst v1  }
0x3d: {  	[tilespmem:s3], [sflag:$0x2] =	stream.linear.gather [hbm4b:s4+s3], $0x3E80, $0x38;
	[tilespmem:$0x4580] =	vst v63  }
0x3e: {  	_ =	swait.ge [sflag:s8], $0x3E80  }
0x3f: {  	[sflag:s8] =	ssyncset.done $0x0  }
0x40: {  	[sflag:s8] =	ssyncadd.s32 $0xFFFFC180  }
0x41: {  	[spmem:s5] =	stream.linear.scatter [tilespmem:s9], [sflag:$0x2], $0x280, $0x38;
	[tilespmem:$0x4580] =	vst v63  }
0x42: {  	_ =	swait.ge [sflag:s8], $0x280  }
0x43: {  	[sflag:s8] =	ssyncset.done $0x0  }
0x44: {  	[sflag:s8] =	ssyncadd.s32 $0xFFFFFD80  }
0x45: {  	s18 =	simm.s32 $0x0;
	[bflag:$0x0] =	sbarrier.arrive $0xFFFF  }
.LBB2_2:
0x46: {  	p0 =	sne.s32 s18, $0xF800  }
.Ltmp0:
0x47: {  	_ = 	snop;
	(pc) =	sbr.rel @p0 .LBB2_2-.Ltmp0, $3  }
0x48: {  	_ =	sdelay $0x1  }
0x49: {  	s19 =	sshra.s32 s18, $0x2;
	s18 =	sadd.s32 $0x200, s18  }
0x4a: {  	[spmem:s2] =	stream.indirect.scatter.add.f32 [tilespmem:s11], [sflag:$0x1], $0x1, s19, s10, $0xb8;
	[tilespmem:$0x4580] =	vst v63  }
0x4b: {  	_ =	swait.ge [sflag:s12], $0x50  }
0x4c: {  	s18 =	simm.s32 $0x7C;
	[sflag:s12] =	ssyncset.done $0x0  }
.LBB2_4:
0x4d: {  	p0 =	sne.s32 s18, $0x1;
	s18 =	sadd.s32 $0xFFFFFFFF, s18;
	[sflag:s12] =	ssyncadd.s32 $0xFFFFFFB0  }
.Ltmp1:
0x4e: {  	(pc) =	sbr.rel @p0 .LBB2_4-.Ltmp1, $3  }
0x4f: {  	_ =	sdelay $0x1  }
0x50: {  	_ =	swait.ge [sflag:s12], $0x50  }
0x51: {  	[sflag:s12] =	ssyncset.done $0x0  }
0x52: {  	s17 =	sadd.s32 $0x1, s17  }
0x53: {  	[sflag:s12] =	ssyncadd.s32 $0xFFFFFFB0;
	p0 =	sne.s32 s17, s7  }
.Ltmp2:
0x54: {  	[bflag:$0x0] =	sbarrier.arrive $0xFFFF;
	(pc) =	sbr.rel @p0 .LBB2_1-.Ltmp2, $4  }
0x55: {  	[hbm:s6@s15], [sflag:s13] =	dma.strided [spmem:s14@s16], $0x50, s12, $0x10   }
0x56: {  	_ =	swait.ge [sflag:s8], $0x50  }
0x57: {  	[sflag:s8] =	ssyncset.done $0x0  }
0x58: {  	[sflag:s8] =	ssyncadd.s32 $0xFFFFFFB0  }
0x59: {  	_ =	sfence.sel $0x180000  }
0x5a: {  	[bflag:$0x0] =	sbarrier.arrive $0xFFFF  }
0x5b: {  	p0 =	sne.s32 s1, $0x0;
	_ =	strace $0x90000047  }
0x5c: {  	s0 =	sadd.s32 @!p0 $0x100000, s0;
	[bflag:$0x2] =	sbarrier.arrive $0xFFFF  }
0x5d: {  	[sflag:s0] =	ssyncadd.tile.s32 @!p0 $0x1;
	_ =	shalt  }
.Lfunc_end2:
_tile_overlayer_lowered:
.L_overlay_start_2:
0x5e: {  	(tag) =	ssettag $0x2  }
0x5f: {  	s0 =	rddreg [dreg:$0x0];
	s2 =	stileid.u32  }
0x60: {  	s1 =	rddreg [dreg:$0x1];
	p0 =	sne.s32 s2, $0x0  }
0x61: {  	s3 =	rddreg [dreg:$0x2];
	[bflag:$0x3] =	sbarrier.arrive $0xFFFF;
	s2 =	simm.s32 @!p0 $0x1C02  }
0x62: {  	[timem:s3], [sflag:s2] =	dma.local @!p0 [hbm:s0], s1  }
0x63: {  	s0 =	simm.s32 @!p0 $0x2  }
0x64: {  	_ =	swait.ge @!p0 [sflag:s0], s1  }
0x65: {  	s1 =	ssub.s32 @!p0 $0x0, s1;
	[sflag:s0] =	ssyncset.done @!p0 $0x0  }
0x66: {  	[sflag:s0] =	ssyncadd.s32 @!p0 s1  }
0x67: {  	[bflag:$0x3] =	sbarrier.arrive $0xFFFF  }
0x68: {  	_ =	shalt  }

</sc_bundles>
